<compile_context>
chip_gen: v7x
topology: tpu7x:2x2x1
jax: 0.10.2.dev20260603
libtpu: 0.0.44.dev20260713+nightly
codegen_flags: <defaults>
</compile_context>

<pallas_src>
import functools
import math

import jax
import jax.numpy as jnp
from jax import lax
from jax.experimental import pallas as pl
from jax.experimental.pallas import tpu as pltpu
from jax.experimental.pallas import tpu_sc as plsc

_NA = 100
_NF = 512
_NW = 32
_FPT = _NF // _NW
_PADA = 120
_NB = 180
_NBP = 192
_NBLK = 7
_WIN = 8
_HC = 16 * _NBP

_ACOS = (1.5707963050, -0.2145988016, 0.0889789874, -0.0501743046,
         0.0308918810, -0.0170881256, 0.0066700901, -0.0012624911)
_PI = math.pi
_USCALE = 179.0 / math.pi


def _rsqrt_nr(a, iters=3):
    bits = lax.bitcast_convert_type(a, jnp.int32)
    y = lax.bitcast_convert_type(jnp.int32(0x5F3759DF) - (bits >> 1),
                                 jnp.float32)
    for _ in range(iters):
        y = y * (1.5 - 0.5 * a * y * y)
    return y


def _acos_poly(t):
    p = jnp.full((16,), _ACOS[7], jnp.float32)
    for c in (_ACOS[6], _ACOS[5], _ACOS[4], _ACOS[3],
              _ACOS[2], _ACOS[1], _ACOS[0]):
        p = p * t + c
    omt = 1.0 - t
    return omt * _rsqrt_nr(omt, 2) * p


def _angle_u(dotv, n1, n2, valid):
    cosv = dotv * _rsqrt_nr(n1 * n2, 3)
    cosv = jnp.clip(cosv, -1.0 + 1e-7, 1.0 - 1e-7)
    cosv = jnp.where(valid, cosv, 0.0)
    th = _acos_poly(jnp.abs(cosv))
    theta = jnp.where(cosv < 0.0, _PI - th, th)
    return theta * _USCALE


def _sc_body(x_hbm, out_hbm, xyz_v, hist_v, loc_v):
    wid = lax.axis_index("c") * 16 + lax.axis_index("s")
    pltpu.sync_copy(x_hbm.at[wid], xyz_v)
    lanes = lax.iota(jnp.int32, 16)
    lane_base = lanes * _NBP
    zero16 = jnp.zeros((16,), jnp.float32)

    @plsc.parallel_loop(0, _HC, 16, unroll=8)
    def _zero(i):
        hist_v[pl.ds(i, 16)] = zero16

    @plsc.parallel_loop(0, _FPT * _NBLK, 1, unroll=1)
    def _blocks(k):
        ff = k // _NBLK
        cb = k - ff * _NBLK
        base = 1 + cb * 16
        dotv = zero16
        n1 = zero16
        n2 = zero16
        ws1 = zero16
        ws2 = zero16
        for d in range(3):
            left = xyz_v[d, ff, pl.ds(base - 1, 16)]
            ctr = xyz_v[d, ff, pl.ds(base, 16)]
            right = xyz_v[d, ff, pl.ds(base + 1, 16)]
            v1 = left - ctr
            v2 = right - ctr
            dotv = dotv + v1 * v2
            n1 = n1 + v1 * v1
            n2 = n2 + v2 * v2
            w1 = v1 + (jnp.where(v1 >= 10.0, -20.0, 0.0)
                       + jnp.where(v1 < -10.0, 20.0, 0.0))
            w2 = v2 + (jnp.where(v2 >= 10.0, -20.0, 0.0)
                       + jnp.where(v2 < -10.0, 20.0, 0.0))
            ws1 = ws1 + w1 * w1
            ws2 = ws2 + w2 * w2
        valid = ((ws1 < 9.0) & (ws1 != 0.0)
                 & (ws2 < 9.0) & (ws2 != 0.0))
        valid = valid & (lanes < (_NA - 1) - base)
        u = _angle_u(dotv, n1, n2, valid)
        s_i = jnp.clip(u.astype(jnp.int32) - 3, 0, _NB - _WIN)
        d0 = u - s_i.astype(jnp.float32)
        idx = lane_base + s_i
        for j in range(_WIN):
            dd = d0 - float(j)
            w = jnp.exp(-0.5 * dd * dd)
            plsc.addupdate_scatter(hist_v, [idx + j], w, mask=valid)

    @plsc.parallel_loop(0, _NBP // 16, 1)
    def _reduce(b):
        acc = hist_v[pl.ds(b * 16, 16)]
        for lane in range(1, 16):
            acc = acc + hist_v[pl.ds(lane * _NBP + b * 16, 16)]
        loc_v[pl.ds(b * 16, 16)] = acc

    pltpu.sync_copy(loc_v, out_hbm.at[wid])


_sc_hist = pl.kernel(
    _sc_body,
    out_type=jax.ShapeDtypeStruct((_NW, _NBP), jnp.float32),
    mesh=plsc.VectorSubcoreMesh(core_axis_name="c", subcore_axis_name="s",
                                num_cores=2, num_subcores=16),
    compiler_params=pltpu.CompilerParams(needs_layout_passes=False),
    scratch_types=[
        pltpu.VMEM((3, _FPT, _PADA), jnp.float32),
        pltpu.VMEM((_HC,), jnp.float32),
        pltpu.VMEM((_NBP,), jnp.float32),
    ],
)


def _ep_body(parts_ref, fb_ref, out_ref):
    p = parts_ref[...]
    hist = p.sum(axis=0)
    fb = fb_ref[...]
    sel = jnp.where(hist.sum() > 0.0, hist, fb)
    out_ref[...] = (sel / sel.sum())[:_NB]


_epilogue = pl.pallas_call(
    _ep_body,
    out_shape=jax.ShapeDtypeStruct((_NB,), jnp.float32),
)


def kernel(xyz):
    xyz = xyz.reshape(-1, _NA, 3)
    x = jnp.transpose(xyz, (2, 0, 1))
    x = jnp.pad(x, ((0, 0), (0, 0), (0, _PADA - _NA)))
    x = x.reshape(3, _NW, _FPT, _PADA).transpose(1, 0, 2, 3)
    parts = _sc_hist(x)

    offset = jnp.linspace(0.0, 180.0, _NB)
    width = offset[1] - offset[0]
    coeff = -0.5 / width ** 2
    fb_v1 = xyz[0, 1] - xyz[0, 0]
    fb_v2 = xyz[0, 2] - xyz[0, 0]
    fb_dot = (fb_v1 * fb_v2).sum()
    fb_nrm = jnp.sqrt((fb_v1 ** 2).sum() * (fb_v2 ** 2).sum())
    fb_cos = jnp.clip(fb_dot / fb_nrm, -1.0 + 1e-7, 1.0 - 1e-7)
    fb_ang = jnp.arccos(fb_cos) * 180.0 / _PI
    fb_hist = jnp.exp(coeff * (fb_ang - offset) ** 2)
    fb_pad = jnp.pad(fb_hist, (0, _NBP - _NB))

    return _epilogue(parts, fb_pad)

# --- scband reference (transcript-rebuilt; emitter-appended) ---
"""Pipeline reference for scband-differentiable-adf-4243427688499 (READ-ONLY COPY).

The authoritative reference and input builder live on the scoring server;
editing this copy changes nothing except your own understanding.
"""

import jax, jax.numpy as jnp
import numpy as np

N_ATOMS = 100
N_FRAMES = 512
CELL = 20.0
CUTOFF = 3.0
NBINS = 180
ANGLE_START = 0.0
ANGLE_STOP = 180.0


def _bonds_mask():
    b0 = np.arange(N_ATOMS - 1)
    b1 = np.arange(1, N_ATOMS)
    m = np.zeros((N_ATOMS, N_ATOMS), dtype=bool)
    m[b0, b1] = True
    m[b1, b0] = True
    return m


def generate_nbr_list_np(xyz_np, cutoff, cell, bonds_mask):
    # pairwise displacement with minimum-image convention (PBC)
    dis_mat = xyz_np[:, None, :, :] - xyz_np[:, :, None, :]
    offsets = -(dis_mat >= 0.5 * cell).astype(np.float32) + (dis_mat < -0.5 * cell).astype(np.float32)
    dis_mat = dis_mat + offsets * cell
    dis_sq = (dis_mat ** 2).sum(-1)
    mask = (dis_sq < cutoff ** 2) & (dis_sq != 0.0) & bonds_mask[None, :, :]
    f, i, j = np.nonzero(mask)
    return np.stack([f, i, j], axis=1).astype(np.int64)


def generate_angle_list_np(nbr, n_atoms):
    # nbr rows are (frame, center, neighbor); emit (frame, i, center, j) triplets
    if nbr.shape[0] == 0:
        return np.array([[0, 1, 0, 2]], dtype=np.int64)
    key = nbr[:, 0] * n_atoms + nbr[:, 1]
    order = np.argsort(key, kind='stable')
    nbr = nbr[order]
    key = key[order]
    _, starts, counts = np.unique(key, return_index=True, return_counts=True)
    out = []
    for s, c in zip(starts, counts):
        if c < 2:
            continue
        f = nbr[s, 0]
        ctr = nbr[s, 1]
        nbrs = nbr[s:s + c, 2]
        ii, jj = np.triu_indices(c, k=1)
        for a, b in zip(nbrs[ii], nbrs[jj]):
            out.append((f, a, ctr, b))
    if len(out) == 0:
        return np.array([[0, 1, 0, 2]], dtype=np.int64)
    return np.array(out, dtype=np.int64)


def gaussian_smear(angles):
    # GaussianSmearing(start=0, stop=180, n_gaussians=180, width=1.0)
    offset = jnp.linspace(ANGLE_START, ANGLE_STOP, NBINS)
    width = 1.0 * (offset[1] - offset[0])
    coeff = -0.5 / (width ** 2)
    diff = angles[:, None] - offset[None, :]
    return jnp.exp(coeff * diff ** 2)


def setup_inputs(seed: int = 0):
    key = jax.random.key(seed)
    xyz = jax.random.normal(key, (N_FRAMES, N_ATOMS, 3), dtype=jnp.float32)
    return {'xyz': xyz}


def _pair_ok(d):
    offsets = -(d >= 0.5 * CELL).astype(jnp.float32) + (d < -0.5 * CELL).astype(jnp.float32)
    d = d + offsets * CELL
    dis_sq = (d ** 2).sum(-1)
    return (dis_sq < CUTOFF ** 2) & (dis_sq != 0.0)


def reference(xyz):
    xyz = xyz.reshape(-1, N_ATOMS, 3)
    xyz_sg = jax.lax.stop_gradient(xyz)
    # directed bond validity for consecutive-atom pairs (the only bonded pairs):
    # ok_fwd[f, k] corresponds to mask[f, k, k+1]; ok_bwd[f, k] to mask[f, k+1, k]
    ok_fwd = _pair_ok(xyz_sg[:, 1:, :] - xyz_sg[:, :-1, :])
    ok_bwd = _pair_ok(xyz_sg[:, :-1, :] - xyz_sg[:, 1:, :])
    # triplet at center c (c = 1..N_ATOMS-2) requires rows (f,c,c-1) and (f,c,c+1)
    valid = ok_bwd[:, :-1] & ok_fwd[:, 1:]
    bond_vec1 = xyz[:, :-2, :] - xyz[:, 1:-1, :]
    bond_vec2 = xyz[:, 2:, :] - xyz[:, 1:-1, :]
    dot = (bond_vec1 * bond_vec2).sum(-1)
    nrm = jnp.sqrt((bond_vec1 ** 2).sum(-1) * (bond_vec2 ** 2).sum(-1))
    cos = jnp.clip(dot / nrm, -1.0 + 1e-7, 1.0 - 1e-7)
    angles = jnp.arccos(cos) * 180.0 / np.pi
    valid_flat = valid.reshape(-1)
    angles_flat = jnp.where(valid_flat, angles.reshape(-1), 0.0)
    smear = gaussian_smear(angles_flat)
    count_valid = jnp.where(valid_flat[:, None], smear, 0.0).sum(0)
    # fallback triplet (0, 1, 0, 2) used when no angles are found
    fb_v1 = xyz[0, 1] - xyz[0, 0]
    fb_v2 = xyz[0, 2] - xyz[0, 0]
    fb_dot = (fb_v1 * fb_v2).sum(-1)
    fb_nrm = jnp.sqrt((fb_v1 ** 2).sum(-1) * (fb_v2 ** 2).sum(-1))
    fb_cos = jnp.clip(fb_dot / fb_nrm, -1.0 + 1e-7, 1.0 - 1e-7)
    fb_angle = jnp.arccos(fb_cos) * 180.0 / np.pi
    count_fb = gaussian_smear(fb_angle.reshape(-1)).sum(0)
    count = jnp.where(valid_flat.any(), count_valid, count_fb)
    count = count / count.sum()
    return count

if __name__ == "__main__":
    import jax
    _d = setup_inputs()
    print(jax.jit(kernel)(*tuple(_d.values())))

</pallas_src>

<mosaic_0001>
#map = affine_map<(d0, d1) -> (0, 0, 0, 0)>
#map1 = affine_map<(d0, d1) -> (0, 0)>
module attributes {stable_mosaic.version = 14 : i64} {
  func.func @_sc_body(%arg0: i32, %arg1: i32, %arg2: memref<32x3x16x120xf32, #tpu.memory_space<hbm>>, %arg3: memref<32x192xf32, #tpu.memory_space<hbm>>, %arg4: memref<3x16x120xf32, #tpu.memory_space<vmem>>, %arg5: memref<3072xf32, #tpu.memory_space<vmem>>, %arg6: memref<192xf32, #tpu.memory_space<vmem>>) attributes {dimension_semantics = [#tpu.dimension_semantics<core_parallel>, #tpu.dimension_semantics<subcore_parallel>], iteration_bounds = array<i64: 2, 16>, scalar_prefetch = 0 : i64, scratch_operands = 3 : i64, tpu.core_type = #tpu.core_type<sc_vector_subcore>, window_params = [{transform_indices = #map}, {transform_indices = #map1}]} {
    %mul3A = arith.constant 16 : i32
    %mul3A_0 = arith.muli %arg0, %mul3A : i32
    %add3A = arith.addi %mul3A_0, %arg1 : i32
    "tpu.region"() ({
      %run_scoped3A = tpu.sem_alloc : memref<!tpu.dma_semaphore, #tpu.memory_space<semaphore_mem>>
      %dma_start3A = arith.constant 0 : i32
      %dma_start3A_13 = arith.constant 0 : i32
      %dma_start3A_14 = arith.constant 0 : i32
      %dma_start3A_15 = tpu.memref_slice %arg2[%add3A, %dma_start3A, %dma_start3A_13, %dma_start3A_14] : memref<32x3x16x120xf32, #tpu.memory_space<hbm>> -> memref<1x3x16x120xf32, #tpu.memory_space<hbm>>
      %dma_start3A_16 = tpu.memref_squeeze %dma_start3A_15 : memref<1x3x16x120xf32, #tpu.memory_space<hbm>> -> memref<3x16x120xf32, #tpu.memory_space<hbm>>
      %dma_start3A_17 = arith.constant 0 : i32
      %dma_start3A_18 = arith.constant 0 : i32
      %dma_start3A_19 = arith.constant 0 : i32
      %dma_start3A_20 = tpu.memref_slice %arg2[%add3A, %dma_start3A_17, %dma_start3A_18, %dma_start3A_19] : memref<32x3x16x120xf32, #tpu.memory_space<hbm>> -> memref<1x3x16x120xf32, #tpu.memory_space<hbm>>
      %dma_start3A_21 = tpu.memref_squeeze %dma_start3A_20 : memref<1x3x16x120xf32, #tpu.memory_space<hbm>> -> memref<3x16x120xf32, #tpu.memory_space<hbm>>
      tpu.enqueue_dma source(%dma_start3A_21 : memref<3x16x120xf32, #tpu.memory_space<hbm>>) target(%arg4 : memref<3x16x120xf32, #tpu.memory_space<vmem>>) target_semaphore(%run_scoped3A : memref<!tpu.dma_semaphore, #tpu.memory_space<semaphore_mem>>)
      %dma_wait3A = arith.constant 0 : i32
      %dma_wait3A_22 = arith.constant 0 : i32
      %dma_wait3A_23 = arith.constant 0 : i32
      %dma_wait3A_24 = tpu.memref_slice %arg2[%add3A, %dma_wait3A, %dma_wait3A_22, %dma_wait3A_23] : memref<32x3x16x120xf32, #tpu.memory_space<hbm>> -> memref<1x3x16x120xf32, #tpu.memory_space<hbm>>
      %dma_wait3A_25 = tpu.memref_squeeze %dma_wait3A_24 : memref<1x3x16x120xf32, #tpu.memory_space<hbm>> -> memref<3x16x120xf32, #tpu.memory_space<hbm>>
      %dma_wait3A_26 = arith.constant 0 : i32
      %dma_wait3A_27 = arith.constant 0 : i32
      %dma_wait3A_28 = arith.constant 0 : i32
      %dma_wait3A_29 = tpu.memref_slice %arg2[%add3A, %dma_wait3A_26, %dma_wait3A_27, %dma_wait3A_28] : memref<32x3x16x120xf32, #tpu.memory_space<hbm>> -> memref<1x3x16x120xf32, #tpu.memory_space<hbm>>
      %dma_wait3A_30 = tpu.memref_squeeze %dma_wait3A_29 : memref<1x3x16x120xf32, #tpu.memory_space<hbm>> -> memref<3x16x120xf32, #tpu.memory_space<hbm>>
      tpu.wait_dma2 semaphore(%run_scoped3A : memref<!tpu.dma_semaphore, #tpu.memory_space<semaphore_mem>>) src(%dma_wait3A_30 : memref<3x16x120xf32, #tpu.memory_space<hbm>>) dst(%arg4 : memref<3x16x120xf32, #tpu.memory_space<vmem>>)
      tpu.yield
    }) : () -> ()
    %iota3A = tpu.iota {dimensions = array<i32: 0>} : vector<16xi32>
    %mul3A_1 = arith.constant 192 : i32
    %mul3A_2 = vector.broadcast %mul3A_1 : i32 to vector<16xi32>
    %mul3A_3 = arith.muli %iota3A, %mul3A_2 : vector<16xi32>
    %broadcast_in_dim3A = arith.constant 0.000000e+00 : f32
    %broadcast_in_dim3A_4 = vector.broadcast %broadcast_in_dim3A : f32 to vector<16xf32>
    %parallel_loop3A = arith.constant 0 : i32
    %parallel_loop3A_5 = arith.constant 3072 : i32
    %parallel_loop3A_6 = arith.constant 16 : i32
    scf.for %parallel_loop3A_13 = %parallel_loop3A to %parallel_loop3A_5 step %parallel_loop3A_6  : i32 {
      %parallel_loop3A_14 = arith.index_cast %parallel_loop3A_13 : i32 to index
      %parallel_loop3A_15 = tpu.vector_load %arg5[%parallel_loop3A_14] {strides = array<i32>} : memref<3072xf32, #tpu.memory_space<vmem>>, vector<16xf32>,
      tpu.vector_store %arg5[%parallel_loop3A_14], %broadcast_in_dim3A_4 {strides = array<i32>} : memref<3072xf32, #tpu.memory_space<vmem>>, vector<16xf32>,
    } {sc.loop_unroll_factor = 8 : i64, sc.parallel_access}
    %parallel_loop3A_7 = arith.constant 0 : i32
    %parallel_loop3A_8 = arith.constant 112 : i32
    %parallel_loop3A_9 = arith.constant 1 : i32
    scf.for %parallel_loop3A_13 = %parallel_loop3A_7 to %parallel_loop3A_8 step %parallel_loop3A_9  : i32 {
      %parallel_loop3A_14 = arith.constant 7 : i32
      %parallel_loop3A_15 = arith.divsi %parallel_loop3A_13, %parallel_loop3A_14 : i32
      %parallel_loop3A_16 = arith.constant 0 : i32
      %parallel_loop3A_17 = arith.cmpi sgt, %parallel_loop3A_13, %parallel_loop3A_16 : i32
      %parallel_loop3A_18 = arith.extui %parallel_loop3A_17 : i1 to i32
      %parallel_loop3A_19 = arith.constant 0 : i32
      %parallel_loop3A_20 = arith.cmpi slt, %parallel_loop3A_13, %parallel_loop3A_19 : i32
      %parallel_loop3A_21 = arith.extui %parallel_loop3A_20 : i1 to i32
      %parallel_loop3A_22 = arith.subi %parallel_loop3A_18, %parallel_loop3A_21 : i32
      %parallel_loop3A_23 = arith.constant 0 : i32
      %parallel_loop3A_24 = arith.cmpi sgt, %parallel_loop3A_14, %parallel_loop3A_23 : i32
      %parallel_loop3A_25 = arith.extui %parallel_loop3A_24 : i1 to i32
      %parallel_loop3A_26 = arith.constant 0 : i32
      %parallel_loop3A_27 = arith.cmpi slt, %parallel_loop3A_14, %parallel_loop3A_26 : i32
      %parallel_loop3A_28 = arith.extui %parallel_loop3A_27 : i1 to i32
      %parallel_loop3A_29 = arith.subi %parallel_loop3A_25, %parallel_loop3A_28 : i32
      %parallel_loop3A_30 = arith.cmpi ne, %parallel_loop3A_22, %parallel_loop3A_29 : i32
      %parallel_loop3A_31 = arith.remsi %parallel_loop3A_13, %parallel_loop3A_14 : i32
      %parallel_loop3A_32 = arith.constant 0 : i32
      %parallel_loop3A_33 = arith.cmpi ne, %parallel_loop3A_31, %parallel_loop3A_32 : i32
      %parallel_loop3A_34 = arith.andi %parallel_loop3A_30, %parallel_loop3A_33 : i1
      %parallel_loop3A_35 = arith.constant 1 : i32
      %parallel_loop3A_36 = arith.subi %parallel_loop3A_15, %parallel_loop3A_35 : i32
      %parallel_loop3A_37 = arith.select %parallel_loop3A_34, %parallel_loop3A_36, %parallel_loop3A_15 : i32
      %parallel_loop3A_38 = arith.constant 7 : i32
      %parallel_loop3A_39 = arith.muli %parallel_loop3A_37, %parallel_loop3A_38 : i32
      %parallel_loop3A_40 = arith.subi %parallel_loop3A_13, %parallel_loop3A_39 : i32
      %parallel_loop3A_41 = arith.constant 16 : i32
      %parallel_loop3A_42 = arith.muli %parallel_loop3A_40, %parallel_loop3A_41 : i32
      %parallel_loop3A_43 = arith.constant 1 : i32
      %parallel_loop3A_44 = arith.addi %parallel_loop3A_43, %parallel_loop3A_42 : i32
      %parallel_loop3A_45 = arith.constant 1 : i32
      %parallel_loop3A_46 = arith.subi %parallel_loop3A_44, %parallel_loop3A_45 : i32
      %parallel_loop3A_47 = arith.constant 0 : i32
      %parallel_loop3A_48 = arith.index_cast %parallel_loop3A_47 : i32 to index
      %parallel_loop3A_49 = arith.index_cast %parallel_loop3A_37 : i32 to index
      %parallel_loop3A_50 = arith.index_cast %parallel_loop3A_46 : i32 to index
      %parallel_loop3A_51 = tpu.vector_load %arg4[%parallel_loop3A_48, %parallel_loop3A_49, %parallel_loop3A_50] {strides = array<i32>} : memref<3x16x120xf32, #tpu.memory_space<vmem>>, vector<16xf32>,
      %parallel_loop3A_52 = arith.constant 0 : i32
      %parallel_loop3A_53 = arith.index_cast %parallel_loop3A_52 : i32 to index
      %parallel_loop3A_54 = arith.index_cast %parallel_loop3A_37 : i32 to index
      %parallel_loop3A_55 = arith.index_cast %parallel_loop3A_44 : i32 to index
      %parallel_loop3A_56 = tpu.vector_load %arg4[%parallel_loop3A_53, %parallel_loop3A_54, %parallel_loop3A_55] {strides = array<i32>} : memref<3x16x120xf32, #tpu.memory_space<vmem>>, vector<16xf32>,
      %parallel_loop3A_57 = arith.constant 1 : i32
      %parallel_loop3A_58 = arith.addi %parallel_loop3A_44, %parallel_loop3A_57 : i32
      %parallel_loop3A_59 = arith.constant 0 : i32
      %parallel_loop3A_60 = arith.index_cast %parallel_loop3A_59 : i32 to index
      %parallel_loop3A_61 = arith.index_cast %parallel_loop3A_37 : i32 to index
      %parallel_loop3A_62 = arith.index_cast %parallel_loop3A_58 : i32 to index
      %parallel_loop3A_63 = tpu.vector_load %arg4[%parallel_loop3A_60, %parallel_loop3A_61, %parallel_loop3A_62] {strides = array<i32>} : memref<3x16x120xf32, #tpu.memory_space<vmem>>, vector<16xf32>,
      %parallel_loop3A_64 = arith.subf %parallel_loop3A_51, %parallel_loop3A_56 : vector<16xf32>
      %parallel_loop3A_65 = arith.subf %parallel_loop3A_63, %parallel_loop3A_56 : vector<16xf32>
      %parallel_loop3A_66 = arith.mulf %parallel_loop3A_64, %parallel_loop3A_65 : vector<16xf32>
      %parallel_loop3A_67 = arith.addf %broadcast_in_dim3A_4, %parallel_loop3A_66 : vector<16xf32>
      %parallel_loop3A_68 = arith.mulf %parallel_loop3A_64, %parallel_loop3A_64 : vector<16xf32>
      %parallel_loop3A_69 = arith.addf %broadcast_in_dim3A_4, %parallel_loop3A_68 : vector<16xf32>
      %parallel_loop3A_70 = arith.mulf %parallel_loop3A_65, %parallel_loop3A_65 : vector<16xf32>
      %parallel_loop3A_71 = arith.addf %broadcast_in_dim3A_4, %parallel_loop3A_70 : vector<16xf32>
      %parallel_loop3A_72 = arith.constant 1.000000e+01 : f32
      %parallel_loop3A_73 = vector.broadcast %parallel_loop3A_72 : f32 to vector<16xf32>
      %parallel_loop3A_74 = arith.cmpf oge, %parallel_loop3A_64, %parallel_loop3A_73 : vector<16xf32>
      %parallel_loop3A_75 = arith.constant -2.000000e+01 : f32
      %parallel_loop3A_76 = arith.constant 0.000000e+00 : f32
      %parallel_loop3A_77 = vector.broadcast %parallel_loop3A_75 : f32 to vector<16xf32>
      %parallel_loop3A_78 = vector.broadcast %parallel_loop3A_76 : f32 to vector<16xf32>
      %parallel_loop3A_79 = arith.select %parallel_loop3A_74, %parallel_loop3A_77, %parallel_loop3A_78 : vector<16xi1>, vector<16xf32>
      %parallel_loop3A_80 = arith.constant -1.000000e+01 : f32
      %parallel_loop3A_81 = vector.broadcast %parallel_loop3A_80 : f32 to vector<16xf32>
      %parallel_loop3A_82 = arith.cmpf olt, %parallel_loop3A_64, %parallel_loop3A_81 : vector<16xf32>
      %parallel_loop3A_83 = arith.constant 2.000000e+01 : f32
      %parallel_loop3A_84 = arith.constant 0.000000e+00 : f32
      %parallel_loop3A_85 = vector.broadcast %parallel_loop3A_83 : f32 to vector<16xf32>
      %parallel_loop3A_86 = vector.broadcast %parallel_loop3A_84 : f32 to vector<16xf32>
      %parallel_loop3A_87 = arith.select %parallel_loop3A_82, %parallel_loop3A_85, %parallel_loop3A_86 : vector<16xi1>, vector<16xf32>
      %parallel_loop3A_88 = arith.addf %parallel_loop3A_79, %parallel_loop3A_87 : vector<16xf32>
      %parallel_loop3A_89 = arith.addf %parallel_loop3A_64, %parallel_loop3A_88 : vector<16xf32>
      %parallel_loop3A_90 = arith.constant 1.000000e+01 : f32
      %parallel_loop3A_91 = vector.broadcast %parallel_loop3A_90 : f32 to vector<16xf32>
      %parallel_loop3A_92 = arith.cmpf oge, %parallel_loop3A_65, %parallel_loop3A_91 : vector<16xf32>
      %parallel_loop3A_93 = arith.constant -2.000000e+01 : f32
      %parallel_loop3A_94 = arith.constant 0.000000e+00 : f32
      %parallel_loop3A_95 = vector.broadcast %parallel_loop3A_93 : f32 to vector<16xf32>
      %parallel_loop3A_96 = vector.broadcast %parallel_loop3A_94 : f32 to vector<16xf32>
      %parallel_loop3A_97 = arith.select %parallel_loop3A_92, %parallel_loop3A_95, %parallel_loop3A_96 : vector<16xi1>, vector<16xf32>
      %parallel_loop3A_98 = arith.constant -1.000000e+01 : f32
      %parallel_loop3A_99 = vector.broadcast %parallel_loop3A_98 : f32 to vector<16xf32>
      %parallel_loop3A_100 = arith.cmpf olt, %parallel_loop3A_65, %parallel_loop3A_99 : vector<16xf32>
      %parallel_loop3A_101 = arith.constant 2.000000e+01 : f32
      %parallel_loop3A_102 = arith.constant 0.000000e+00 : f32
      %parallel_loop3A_103 = vector.broadcast %parallel_loop3A_101 : f32 to vector<16xf32>
      %parallel_loop3A_104 = vector.broadcast %parallel_loop3A_102 : f32 to vector<16xf32>
      %parallel_loop3A_105 = arith.select %parallel_loop3A_100, %parallel_loop3A_103, %parallel_loop3A_104 : vector<16xi1>, vector<16xf32>
      %parallel_loop3A_106 = arith.addf %parallel_loop3A_97, %parallel_loop3A_105 : vector<16xf32>
      %parallel_loop3A_107 = arith.addf %parallel_loop3A_65, %parallel_loop3A_106 : vector<16xf32>
      %parallel_loop3A_108 = arith.mulf %parallel_loop3A_89, %parallel_loop3A_89 : vector<16xf32>
      %parallel_loop3A_109 = arith.addf %broadcast_in_dim3A_4, %parallel_loop3A_108 : vector<16xf32>
      %parallel_loop3A_110 = arith.mulf %parallel_loop3A_107, %parallel_loop3A_107 : vector<16xf32>
      %parallel_loop3A_111 = arith.addf %broadcast_in_dim3A_4, %parallel_loop3A_110 : vector<16xf32>
      %parallel_loop3A_112 = arith.constant 1 : i32
      %parallel_loop3A_113 = arith.subi %parallel_loop3A_44, %parallel_loop3A_112 : i32
      %parallel_loop3A_114 = arith.constant 1 : i32
      %parallel_loop3A_115 = arith.index_cast %parallel_loop3A_114 : i32 to index
      %parallel_loop3A_116 = arith.index_cast %parallel_loop3A_37 : i32 to index
      %parallel_loop3A_117 = arith.index_cast %parallel_loop3A_113 : i32 to index
      %parallel_loop3A_118 = tpu.vector_load %arg4[%parallel_loop3A_115, %parallel_loop3A_116, %parallel_loop3A_117] {strides = array<i32>} : memref<3x16x120xf32, #tpu.memory_space<vmem>>, vector<16xf32>,
      %parallel_loop3A_119 = arith.constant 1 : i32
      %parallel_loop3A_120 = arith.index_cast %parallel_loop3A_119 : i32 to index
      %parallel_loop3A_121 = arith.index_cast %parallel_loop3A_37 : i32 to index
      %parallel_loop3A_122 = arith.index_cast %parallel_loop3A_44 : i32 to index
      %parallel_loop3A_123 = tpu.vector_load %arg4[%parallel_loop3A_120, %parallel_loop3A_121, %parallel_loop3A_122] {strides = array<i32>} : memref<3x16x120xf32, #tpu.memory_space<vmem>>, vector<16xf32>,
      %parallel_loop3A_124 = arith.constant 1 : i32
      %parallel_loop3A_125 = arith.addi %parallel_loop3A_44, %parallel_loop3A_124 : i32
      %parallel_loop3A_126 = arith.constant 1 : i32
      %parallel_loop3A_127 = arith.index_cast %parallel_loop3A_126 : i32 to index
      %parallel_loop3A_128 = arith.index_cast %parallel_loop3A_37 : i32 to index
      %parallel_loop3A_129 = arith.index_cast %parallel_loop3A_125 : i32 to index
      %parallel_loop3A_130 = tpu.vector_load %arg4[%parallel_loop3A_127, %parallel_loop3A_128, %parallel_loop3A_129] {strides = array<i32>} : memref<3x16x120xf32, #tpu.memory_space<vmem>>, vector<16xf32>,
      %parallel_loop3A_131 = arith.subf %parallel_loop3A_118, %parallel_loop3A_123 : vector<16xf32>
      %parallel_loop3A_132 = arith.subf %parallel_loop3A_130, %parallel_loop3A_123 : vector<16xf32>
      %parallel_loop3A_133 = arith.mulf %parallel_loop3A_131, %parallel_loop3A_132 : vector<16xf32>
      %parallel_loop3A_134 = arith.addf %parallel_loop3A_67, %parallel_loop3A_133 : vector<16xf32>
      %parallel_loop3A_135 = arith.mulf %parallel_loop3A_131, %parallel_loop3A_131 : vector<16xf32>
      %parallel_loop3A_136 = arith.addf %parallel_loop3A_69, %parallel_loop3A_135 : vector<16xf32>
      %parallel_loop3A_137 = arith.mulf %parallel_loop3A_132, %parallel_loop3A_132 : vector<16xf32>
      %parallel_loop3A_138 = arith.addf %parallel_loop3A_71, %parallel_loop3A_137 : vector<16xf32>
      %parallel_loop3A_139 = arith.constant 1.000000e+01 : f32
      %parallel_loop3A_140 = vector.broadcast %parallel_loop3A_139 : f32 to vector<16xf32>
      %parallel_loop3A_141 = arith.cmpf oge, %parallel_loop3A_131, %parallel_loop3A_140 : vector<16xf32>
      %parallel_loop3A_142 = arith.constant -2.000000e+01 : f32
      %parallel_loop3A_143 = arith.constant 0.000000e+00 : f32
      %parallel_loop3A_144 = vector.broadcast %parallel_loop3A_142 : f32 to vector<16xf32>
      %parallel_loop3A_145 = vector.broadcast %parallel_loop3A_143 : f32 to vector<16xf32>
      %parallel_loop3A_146 = arith.select %parallel_loop3A_141, %parallel_loop3A_144, %parallel_loop3A_145 : vector<16xi1>, vector<16xf32>
      %parallel_loop3A_147 = arith.constant -1.000000e+01 : f32
      %parallel_loop3A_148 = vector.broadcast %parallel_loop3A_147 : f32 to vector<16xf32>
      %parallel_loop3A_149 = arith.cmpf olt, %parallel_loop3A_131, %parallel_loop3A_148 : vector<16xf32>
      %parallel_loop3A_150 = arith.constant 2.000000e+01 : f32
      %parallel_loop3A_151 = arith.constant 0.000000e+00 : f32
      %parallel_loop3A_152 = vector.broadcast %parallel_loop3A_150 : f32 to vector<16xf32>
      %parallel_loop3A_153 = vector.broadcast %parallel_loop3A_151 : f32 to vector<16xf32>
      %parallel_loop3A_154 = arith.select %parallel_loop3A_149, %parallel_loop3A_152, %parallel_loop3A_153 : vector<16xi1>, vector<16xf32>
      %parallel_loop3A_155 = arith.addf %parallel_loop3A_146, %parallel_loop3A_154 : vector<16xf32>
      %parallel_loop3A_156 = arith.addf %parallel_loop3A_131, %parallel_loop3A_155 : vector<16xf32>
      %parallel_loop3A_157 = arith.constant 1.000000e+01 : f32
      %parallel_loop3A_158 = vector.broadcast %parallel_loop3A_157 : f32 to vector<16xf32>
      %parallel_loop3A_159 = arith.cmpf oge, %parallel_loop3A_132, %parallel_loop3A_158 : vector<16xf32>
      %parallel_loop3A_160 = arith.constant -2.000000e+01 : f32
      %parallel_loop3A_161 = arith.constant 0.000000e+00 : f32
      %parallel_loop3A_162 = vector.broadcast %parallel_loop3A_160 : f32 to vector<16xf32>
      %parallel_loop3A_163 = vector.broadcast %parallel_loop3A_161 : f32 to vector<16xf32>
      %parallel_loop3A_164 = arith.select %parallel_loop3A_159, %parallel_loop3A_162, %parallel_loop3A_163 : vector<16xi1>, vector<16xf32>
      %parallel_loop3A_165 = arith.constant -1.000000e+01 : f32
      %parallel_loop3A_166 = vector.broadcast %parallel_loop3A_165 : f32 to vector<16xf32>
      %parallel_loop3A_167 = arith.cmpf olt, %parallel_loop3A_132, %parallel_loop3A_166 : vector<16xf32>
      %parallel_loop3A_168 = arith.constant 2.000000e+01 : f32
      %parallel_loop3A_169 = arith.constant 0.000000e+00 : f32
      %parallel_loop3A_170 = vector.broadcast %parallel_loop3A_168 : f32 to vector<16xf32>
      %parallel_loop3A_171 = vector.broadcast %parallel_loop3A_169 : f32 to vector<16xf32>
      %parallel_loop3A_172 = arith.select %parallel_loop3A_167, %parallel_loop3A_170, %parallel_loop3A_171 : vector<16xi1>, vector<16xf32>
      %parallel_loop3A_173 = arith.addf %parallel_loop3A_164, %parallel_loop3A_172 : vector<16xf32>
      %parallel_loop3A_174 = arith.addf %parallel_loop3A_132, %parallel_loop3A_173 : vector<16xf32>
      %parallel_loop3A_175 = arith.mulf %parallel_loop3A_156, %parallel_loop3A_156 : vector<16xf32>
      %parallel_loop3A_176 = arith.addf %parallel_loop3A_109, %parallel_loop3A_175 : vector<16xf32>
      %parallel_loop3A_177 = arith.mulf %parallel_loop3A_174, %parallel_loop3A_174 : vector<16xf32>
      %parallel_loop3A_178 = arith.addf %parallel_loop3A_111, %parallel_loop3A_177 : vector<16xf32>
      %parallel_loop3A_179 = arith.constant 1 : i32
      %parallel_loop3A_180 = arith.subi %parallel_loop3A_44, %parallel_loop3A_179 : i32
      %parallel_loop3A_181 = arith.constant 2 : i32
      %parallel_loop3A_182 = arith.index_cast %parallel_loop3A_181 : i32 to index
      %parallel_loop3A_183 = arith.index_cast %parallel_loop3A_37 : i32 to index
      %parallel_loop3A_184 = arith.index_cast %parallel_loop3A_180 : i32 to index
      %parallel_loop3A_185 = tpu.vector_load %arg4[%parallel_loop3A_182, %parallel_loop3A_183, %parallel_loop3A_184] {strides = array<i32>} : memref<3x16x120xf32, #tpu.memory_space<vmem>>, vector<16xf32>,
      %parallel_loop3A_186 = arith.constant 2 : i32
      %parallel_loop3A_187 = arith.index_cast %parallel_loop3A_186 : i32 to index
      %parallel_loop3A_188 = arith.index_cast %parallel_loop3A_37 : i32 to index
      %parallel_loop3A_189 = arith.index_cast %parallel_loop3A_44 : i32 to index
      %parallel_loop3A_190 = tpu.vector_load %arg4[%parallel_loop3A_187, %parallel_loop3A_188, %parallel_loop3A_189] {strides = array<i32>} : memref<3x16x120xf32, #tpu.memory_space<vmem>>, vector<16xf32>,
      %parallel_loop3A_191 = arith.constant 1 : i32
      %parallel_loop3A_192 = arith.addi %parallel_loop3A_44, %parallel_loop3A_191 : i32
      %parallel_loop3A_193 = arith.constant 2 : i32
      %parallel_loop3A_194 = arith.index_cast %parallel_loop3A_193 : i32 to index
      %parallel_loop3A_195 = arith.index_cast %parallel_loop3A_37 : i32 to index
      %parallel_loop3A_196 = arith.index_cast %parallel_loop3A_192 : i32 to index
      %parallel_loop3A_197 = tpu.vector_load %arg4[%parallel_loop3A_194, %parallel_loop3A_195, %parallel_loop3A_196] {strides = array<i32>} : memref<3x16x120xf32, #tpu.memory_space<vmem>>, vector<16xf32>,
      %parallel_loop3A_198 = arith.subf %parallel_loop3A_185, %parallel_loop3A_190 : vector<16xf32>
      %parallel_loop3A_199 = arith.subf %parallel_loop3A_197, %parallel_loop3A_190 : vector<16xf32>
      %parallel_loop3A_200 = arith.mulf %parallel_loop3A_198, %parallel_loop3A_199 : vector<16xf32>
      %parallel_loop3A_201 = arith.addf %parallel_loop3A_134, %parallel_loop3A_200 : vector<16xf32>
      %parallel_loop3A_202 = arith.mulf %parallel_loop3A_198, %parallel_loop3A_198 : vector<16xf32>
      %parallel_loop3A_203 = arith.addf %parallel_loop3A_136, %parallel_loop3A_202 : vector<16xf32>
      %parallel_loop3A_204 = arith.mulf %parallel_loop3A_199, %parallel_loop3A_199 : vector<16xf32>
      %parallel_loop3A_205 = arith.addf %parallel_loop3A_138, %parallel_loop3A_204 : vector<16xf32>
      %parallel_loop3A_206 = arith.constant 1.000000e+01 : f32
      %parallel_loop3A_207 = vector.broadcast %parallel_loop3A_206 : f32 to vector<16xf32>
      %parallel_loop3A_208 = arith.cmpf oge, %parallel_loop3A_198, %parallel_loop3A_207 : vector<16xf32>
      %parallel_loop3A_209 = arith.constant -2.000000e+01 : f32
      %parallel_loop3A_210 = arith.constant 0.000000e+00 : f32
      %parallel_loop3A_211 = vector.broadcast %parallel_loop3A_209 : f32 to vector<16xf32>
      %parallel_loop3A_212 = vector.broadcast %parallel_loop3A_210 : f32 to vector<16xf32>
      %parallel_loop3A_213 = arith.select %parallel_loop3A_208, %parallel_loop3A_211, %parallel_loop3A_212 : vector<16xi1>, vector<16xf32>
      %parallel_loop3A_214 = arith.constant -1.000000e+01 : f32
      %parallel_loop3A_215 = vector.broadcast %parallel_loop3A_214 : f32 to vector<16xf32>
      %parallel_loop3A_216 = arith.cmpf olt, %parallel_loop3A_198, %parallel_loop3A_215 : vector<16xf32>
      %parallel_loop3A_217 = arith.constant 2.000000e+01 : f32
      %parallel_loop3A_218 = arith.constant 0.000000e+00 : f32
      %parallel_loop3A_219 = vector.broadcast %parallel_loop3A_217 : f32 to vector<16xf32>
      %parallel_loop3A_220 = vector.broadcast %parallel_loop3A_218 : f32 to vector<16xf32>
      %parallel_loop3A_221 = arith.select %parallel_loop3A_216, %parallel_loop3A_219, %parallel_loop3A_220 : vector<16xi1>, vector<16xf32>
      %parallel_loop3A_222 = arith.addf %parallel_loop3A_213, %parallel_loop3A_221 : vector<16xf32>
      %parallel_loop3A_223 = arith.addf %parallel_loop3A_198, %parallel_loop3A_222 : vector<16xf32>
      %parallel_loop3A_224 = arith.constant 1.000000e+01 : f32
      %parallel_loop3A_225 = vector.broadcast %parallel_loop3A_224 : f32 to vector<16xf32>
      %parallel_loop3A_226 = arith.cmpf oge, %parallel_loop3A_199, %parallel_loop3A_225 : vector<16xf32>
      %parallel_loop3A_227 = arith.constant -2.000000e+01 : f32
      %parallel_loop3A_228 = arith.constant 0.000000e+00 : f32
      %parallel_loop3A_229 = vector.broadcast %parallel_loop3A_227 : f32 to vector<16xf32>
      %parallel_loop3A_230 = vector.broadcast %parallel_loop3A_228 : f32 to vector<16xf32>
      %parallel_loop3A_231 = arith.select %parallel_loop3A_226, %parallel_loop3A_229, %parallel_loop3A_230 : vector<16xi1>, vector<16xf32>
      %parallel_loop3A_232 = arith.constant -1.000000e+01 : f32
      %parallel_loop3A_233 = vector.broadcast %parallel_loop3A_232 : f32 to vector<16xf32>
      %parallel_loop3A_234 = arith.cmpf olt, %parallel_loop3A_199, %parallel_loop3A_233 : vector<16xf32>
      %parallel_loop3A_235 = arith.constant 2.000000e+01 : f32
      %parallel_loop3A_236 = arith.constant 0.000000e+00 : f32
      %parallel_loop3A_237 = vector.broadcast %parallel_loop3A_235 : f32 to vector<16xf32>
      %parallel_loop3A_238 = vector.broadcast %parallel_loop3A_236 : f32 to vector<16xf32>
      %parallel_loop3A_239 = arith.select %parallel_loop3A_234, %parallel_loop3A_237, %parallel_loop3A_238 : vector<16xi1>, vector<16xf32>
      %parallel_loop3A_240 = arith.addf %parallel_loop3A_231, %parallel_loop3A_239 : vector<16xf32>
      %parallel_loop3A_241 = arith.addf %parallel_loop3A_199, %parallel_loop3A_240 : vector<16xf32>
      %parallel_loop3A_242 = arith.mulf %parallel_loop3A_223, %parallel_loop3A_223 : vector<16xf32>
      %parallel_loop3A_243 = arith.addf %parallel_loop3A_176, %parallel_loop3A_242 : vector<16xf32>
      %parallel_loop3A_244 = arith.mulf %parallel_loop3A_241, %parallel_loop3A_241 : vector<16xf32>
      %parallel_loop3A_245 = arith.addf %parallel_loop3A_178, %parallel_loop3A_244 : vector<16xf32>
      %parallel_loop3A_246 = arith.constant 9.000000e+00 : f32
      %parallel_loop3A_247 = vector.broadcast %parallel_loop3A_246 : f32 to vector<16xf32>
      %parallel_loop3A_248 = arith.cmpf olt, %parallel_loop3A_243, %parallel_loop3A_247 : vector<16xf32>
      %parallel_loop3A_249 = arith.constant 0.000000e+00 : f32
      %parallel_loop3A_250 = vector.broadcast %parallel_loop3A_249 : f32 to vector<16xf32>
      %parallel_loop3A_251 = arith.cmpf one, %parallel_loop3A_243, %parallel_loop3A_250 : vector<16xf32>
      %parallel_loop3A_252 = arith.andi %parallel_loop3A_248, %parallel_loop3A_251 : vector<16xi1>
      %parallel_loop3A_253 = arith.constant 9.000000e+00 : f32
      %parallel_loop3A_254 = vector.broadcast %parallel_loop3A_253 : f32 to vector<16xf32>
      %parallel_loop3A_255 = arith.cmpf olt, %parallel_loop3A_245, %parallel_loop3A_254 : vector<16xf32>
      %parallel_loop3A_256 = arith.andi %parallel_loop3A_252, %parallel_loop3A_255 : vector<16xi1>
      %parallel_loop3A_257 = arith.constant 0.000000e+00 : f32
      %parallel_loop3A_258 = vector.broadcast %parallel_loop3A_257 : f32 to vector<16xf32>
      %parallel_loop3A_259 = arith.cmpf one, %parallel_loop3A_245, %parallel_loop3A_258 : vector<16xf32>
      %parallel_loop3A_260 = arith.andi %parallel_loop3A_256, %parallel_loop3A_259 : vector<16xi1>
      %parallel_loop3A_261 = arith.constant 99 : i32
      %parallel_loop3A_262 = arith.subi %parallel_loop3A_261, %parallel_loop3A_44 : i32
      %parallel_loop3A_263 = vector.broadcast %parallel_loop3A_262 : i32 to vector<16xi32>
      %parallel_loop3A_264 = arith.cmpi slt, %iota3A, %parallel_loop3A_263 : vector<16xi32>
      %parallel_loop3A_265 = arith.andi %parallel_loop3A_260, %parallel_loop3A_264 : vector<16xi1>
      %parallel_loop3A_266 = arith.mulf %parallel_loop3A_203, %parallel_loop3A_205 : vector<16xf32>
      %parallel_loop3A_267 = tpu.bitcast %parallel_loop3A_266 : vector<16xf32> -> vector<16xi32>
      %parallel_loop3A_268 = arith.constant 1 : i32
      %parallel_loop3A_269 = vector.broadcast %parallel_loop3A_268 : i32 to vector<16xi32>
      %parallel_loop3A_270 = arith.shrsi %parallel_loop3A_267, %parallel_loop3A_269 : vector<16xi32>
      %parallel_loop3A_271 = arith.constant 1597463007 : i32
      %parallel_loop3A_272 = vector.broadcast %parallel_loop3A_271 : i32 to vector<16xi32>
      %parallel_loop3A_273 = arith.subi %parallel_loop3A_272, %parallel_loop3A_270 : vector<16xi32>
      %parallel_loop3A_274 = tpu.bitcast %parallel_loop3A_273 : vector<16xi32> -> vector<16xf32>
      %parallel_loop3A_275 = arith.constant 5.000000e-01 : f32
      %parallel_loop3A_276 = vector.broadcast %parallel_loop3A_275 : f32 to vector<16xf32>
      %parallel_loop3A_277 = arith.mulf %parallel_loop3A_276, %parallel_loop3A_266 : vector<16xf32>
      %parallel_loop3A_278 = arith.mulf %parallel_loop3A_277, %parallel_loop3A_274 : vector<16xf32>
      %parallel_loop3A_279 = arith.mulf %parallel_loop3A_278, %parallel_loop3A_274 : vector<16xf32>
      %parallel_loop3A_280 = arith.constant 1.500000e+00 : f32
      %parallel_loop3A_281 = vector.broadcast %parallel_loop3A_280 : f32 to vector<16xf32>
      %parallel_loop3A_282 = arith.subf %parallel_loop3A_281, %parallel_loop3A_279 : vector<16xf32>
      %parallel_loop3A_283 = arith.mulf %parallel_loop3A_274, %parallel_loop3A_282 : vector<16xf32>
      %parallel_loop3A_284 = arith.constant 5.000000e-01 : f32
      %parallel_loop3A_285 = vector.broadcast %parallel_loop3A_284 : f32 to vector<16xf32>
      %parallel_loop3A_286 = arith.mulf %parallel_loop3A_285, %parallel_loop3A_266 : vector<16xf32>
      %parallel_loop3A_287 = arith.mulf %parallel_loop3A_286, %parallel_loop3A_283 : vector<16xf32>
      %parallel_loop3A_288 = arith.mulf %parallel_loop3A_287, %parallel_loop3A_283 : vector<16xf32>
      %parallel_loop3A_289 = arith.constant 1.500000e+00 : f32
      %parallel_loop3A_290 = vector.broadcast %parallel_loop3A_289 : f32 to vector<16xf32>
      %parallel_loop3A_291 = arith.subf %parallel_loop3A_290, %parallel_loop3A_288 : vector<16xf32>
      %parallel_loop3A_292 = arith.mulf %parallel_loop3A_283, %parallel_loop3A_291 : vector<16xf32>
      %parallel_loop3A_293 = arith.constant 5.000000e-01 : f32
      %parallel_loop3A_294 = vector.broadcast %parallel_loop3A_293 : f32 to vector<16xf32>
      %parallel_loop3A_295 = arith.mulf %parallel_loop3A_294, %parallel_loop3A_266 : vector<16xf32>
      %parallel_loop3A_296 = arith.mulf %parallel_loop3A_295, %parallel_loop3A_292 : vector<16xf32>
      %parallel_loop3A_297 = arith.mulf %parallel_loop3A_296, %parallel_loop3A_292 : vector<16xf32>
      %parallel_loop3A_298 = arith.constant 1.500000e+00 : f32
      %parallel_loop3A_299 = vector.broadcast %parallel_loop3A_298 : f32 to vector<16xf32>
      %parallel_loop3A_300 = arith.subf %parallel_loop3A_299, %parallel_loop3A_297 : vector<16xf32>
      %parallel_loop3A_301 = arith.mulf %parallel_loop3A_292, %parallel_loop3A_300 : vector<16xf32>
      %parallel_loop3A_302 = arith.mulf %parallel_loop3A_201, %parallel_loop3A_301 : vector<16xf32>
      %parallel_loop3A_303 = arith.constant -0.99999988 : f32
      %parallel_loop3A_304 = arith.constant 0.99999988 : f32
      %parallel_loop3A_305 = vector.broadcast %parallel_loop3A_303 : f32 to vector<16xf32>
      %parallel_loop3A_306 = arith.maximumf %parallel_loop3A_305, %parallel_loop3A_302 : vector<16xf32>
      %parallel_loop3A_307 = vector.broadcast %parallel_loop3A_304 : f32 to vector<16xf32>
      %parallel_loop3A_308 = arith.minimumf %parallel_loop3A_307, %parallel_loop3A_306 : vector<16xf32>
      %parallel_loop3A_309 = arith.constant 0.000000e+00 : f32
      %parallel_loop3A_310 = vector.broadcast %parallel_loop3A_309 : f32 to vector<16xf32>
      %parallel_loop3A_311 = arith.select %parallel_loop3A_265, %parallel_loop3A_308, %parallel_loop3A_310 : vector<16xi1>, vector<16xf32>
      %parallel_loop3A_312 = math.absf %parallel_loop3A_311 : vector<16xf32>
      %parallel_loop3A_313 = arith.constant -0.0012624911 : f32
      %parallel_loop3A_314 = vector.broadcast %parallel_loop3A_313 : f32 to vector<16xf32>
      %parallel_loop3A_315 = arith.mulf %parallel_loop3A_314, %parallel_loop3A_312 : vector<16xf32>
      %parallel_loop3A_316 = arith.constant 6.670090e-03 : f32
      %parallel_loop3A_317 = vector.broadcast %parallel_loop3A_316 : f32 to vector<16xf32>
      %parallel_loop3A_318 = arith.addf %parallel_loop3A_315, %parallel_loop3A_317 : vector<16xf32>
      %parallel_loop3A_319 = arith.mulf %parallel_loop3A_318, %parallel_loop3A_312 : vector<16xf32>
      %parallel_loop3A_320 = arith.constant -0.0170881264 : f32
      %parallel_loop3A_321 = vector.broadcast %parallel_loop3A_320 : f32 to vector<16xf32>
      %parallel_loop3A_322 = arith.addf %parallel_loop3A_319, %parallel_loop3A_321 : vector<16xf32>
      %parallel_loop3A_323 = arith.mulf %parallel_loop3A_322, %parallel_loop3A_312 : vector<16xf32>
      %parallel_loop3A_324 = arith.constant 0.0308918804 : f32
      %parallel_loop3A_325 = vector.broadcast %parallel_loop3A_324 : f32 to vector<16xf32>
      %parallel_loop3A_326 = arith.addf %parallel_loop3A_323, %parallel_loop3A_325 : vector<16xf32>
      %parallel_loop3A_327 = arith.mulf %parallel_loop3A_326, %parallel_loop3A_312 : vector<16xf32>
      %parallel_loop3A_328 = arith.constant -0.0501743034 : f32
      %parallel_loop3A_329 = vector.broadcast %parallel_loop3A_328 : f32 to vector<16xf32>
      %parallel_loop3A_330 = arith.addf %parallel_loop3A_327, %parallel_loop3A_329 : vector<16xf32>
      %parallel_loop3A_331 = arith.mulf %parallel_loop3A_330, %parallel_loop3A_312 : vector<16xf32>
      %parallel_loop3A_332 = arith.constant 0.0889789909 : f32
      %parallel_loop3A_333 = vector.broadcast %parallel_loop3A_332 : f32 to vector<16xf32>
      %parallel_loop3A_334 = arith.addf %parallel_loop3A_331, %parallel_loop3A_333 : vector<16xf32>
      %parallel_loop3A_335 = arith.mulf %parallel_loop3A_334, %parallel_loop3A_312 : vector<16xf32>
      %parallel_loop3A_336 = arith.constant -0.214598805 : f32
      %parallel_loop3A_337 = vector.broadcast %parallel_loop3A_336 : f32 to vector<16xf32>
      %parallel_loop3A_338 = arith.addf %parallel_loop3A_335, %parallel_loop3A_337 : vector<16xf32>
      %parallel_loop3A_339 = arith.mulf %parallel_loop3A_338, %parallel_loop3A_312 : vector<16xf32>
      %parallel_loop3A_340 = arith.constant 1.57079625 : f32
      %parallel_loop3A_341 = vector.broadcast %parallel_loop3A_340 : f32 to vector<16xf32>
      %parallel_loop3A_342 = arith.addf %parallel_loop3A_339, %parallel_loop3A_341 : vector<16xf32>
      %parallel_loop3A_343 = arith.constant 1.000000e+00 : f32
      %parallel_loop3A_344 = vector.broadcast %parallel_loop3A_343 : f32 to vector<16xf32>
      %parallel_loop3A_345 = arith.subf %parallel_loop3A_344, %parallel_loop3A_312 : vector<16xf32>
      %parallel_loop3A_346 = tpu.bitcast %parallel_loop3A_345 : vector<16xf32> -> vector<16xi32>
      %parallel_loop3A_347 = arith.constant 1 : i32
      %parallel_loop3A_348 = vector.broadcast %parallel_loop3A_347 : i32 to vector<16xi32>
      %parallel_loop3A_349 = arith.shrsi %parallel_loop3A_346, %parallel_loop3A_348 : vector<16xi32>
      %parallel_loop3A_350 = arith.constant 1597463007 : i32
      %parallel_loop3A_351 = vector.broadcast %parallel_loop3A_350 : i32 to vector<16xi32>
      %parallel_loop3A_352 = arith.subi %parallel_loop3A_351, %parallel_loop3A_349 : vector<16xi32>
      %parallel_loop3A_353 = tpu.bitcast %parallel_loop3A_352 : vector<16xi32> -> vector<16xf32>
      %parallel_loop3A_354 = arith.constant 5.000000e-01 : f32
      %parallel_loop3A_355 = vector.broadcast %parallel_loop3A_354 : f32 to vector<16xf32>
      %parallel_loop3A_356 = arith.mulf %parallel_loop3A_355, %parallel_loop3A_345 : vector<16xf32>
      %parallel_loop3A_357 = arith.mulf %parallel_loop3A_356, %parallel_loop3A_353 : vector<16xf32>
      %parallel_loop3A_358 = arith.mulf %parallel_loop3A_357, %parallel_loop3A_353 : vector<16xf32>
      %parallel_loop3A_359 = arith.constant 1.500000e+00 : f32
      %parallel_loop3A_360 = vector.broadcast %parallel_loop3A_359 : f32 to vector<16xf32>
      %parallel_loop3A_361 = arith.subf %parallel_loop3A_360, %parallel_loop3A_358 : vector<16xf32>
      %parallel_loop3A_362 = arith.mulf %parallel_loop3A_353, %parallel_loop3A_361 : vector<16xf32>
      %parallel_loop3A_363 = arith.constant 5.000000e-01 : f32
      %parallel_loop3A_364 = vector.broadcast %parallel_loop3A_363 : f32 to vector<16xf32>
      %parallel_loop3A_365 = arith.mulf %parallel_loop3A_364, %parallel_loop3A_345 : vector<16xf32>
      %parallel_loop3A_366 = arith.mulf %parallel_loop3A_365, %parallel_loop3A_362 : vector<16xf32>
      %parallel_loop3A_367 = arith.mulf %parallel_loop3A_366, %parallel_loop3A_362 : vector<16xf32>
      %parallel_loop3A_368 = arith.constant 1.500000e+00 : f32
      %parallel_loop3A_369 = vector.broadcast %parallel_loop3A_368 : f32 to vector<16xf32>
      %parallel_loop3A_370 = arith.subf %parallel_loop3A_369, %parallel_loop3A_367 : vector<16xf32>
      %parallel_loop3A_371 = arith.mulf %parallel_loop3A_362, %parallel_loop3A_370 : vector<16xf32>
      %parallel_loop3A_372 = arith.mulf %parallel_loop3A_345, %parallel_loop3A_371 : vector<16xf32>
      %parallel_loop3A_373 = arith.mulf %parallel_loop3A_372, %parallel_loop3A_342 : vector<16xf32>
      %parallel_loop3A_374 = arith.constant 0.000000e+00 : f32
      %parallel_loop3A_375 = vector.broadcast %parallel_loop3A_374 : f32 to vector<16xf32>
      %parallel_loop3A_376 = arith.cmpf olt, %parallel_loop3A_311, %parallel_loop3A_375 : vector<16xf32>
      %parallel_loop3A_377 = arith.constant 3.14159274 : f32
      %parallel_loop3A_378 = vector.broadcast %parallel_loop3A_377 : f32 to vector<16xf32>
      %parallel_loop3A_379 = arith.subf %parallel_loop3A_378, %parallel_loop3A_373 : vector<16xf32>
      %parallel_loop3A_380 = arith.select %parallel_loop3A_376, %parallel_loop3A_379, %parallel_loop3A_373 : vector<16xi1>, vector<16xf32>
      %parallel_loop3A_381 = arith.constant 56.9774704 : f32
      %parallel_loop3A_382 = vector.broadcast %parallel_loop3A_381 : f32 to vector<16xf32>
      %parallel_loop3A_383 = arith.mulf %parallel_loop3A_380, %parallel_loop3A_382 : vector<16xf32>
      %parallel_loop3A_384 = arith.fptosi %parallel_loop3A_383 : vector<16xf32> to vector<16xi32>
      %parallel_loop3A_385 = arith.constant 3 : i32
      %parallel_loop3A_386 = vector.broadcast %parallel_loop3A_385 : i32 to vector<16xi32>
      %parallel_loop3A_387 = arith.subi %parallel_loop3A_384, %parallel_loop3A_386 : vector<16xi32>
      %parallel_loop3A_388 = arith.constant 0 : i32
      %parallel_loop3A_389 = arith.constant 172 : i32
      %parallel_loop3A_390 = vector.broadcast %parallel_loop3A_388 : i32 to vector<16xi32>
      %parallel_loop3A_391 = arith.maxsi %parallel_loop3A_390, %parallel_loop3A_387 : vector<16xi32>
      %parallel_loop3A_392 = vector.broadcast %parallel_loop3A_389 : i32 to vector<16xi32>
      %parallel_loop3A_393 = arith.minsi %parallel_loop3A_392, %parallel_loop3A_391 : vector<16xi32>
      %parallel_loop3A_394 = arith.sitofp %parallel_loop3A_393 : vector<16xi32> to vector<16xf32>
      %parallel_loop3A_395 = arith.subf %parallel_loop3A_383, %parallel_loop3A_394 : vector<16xf32>
      %parallel_loop3A_396 = arith.addi %mul3A_3, %parallel_loop3A_393 : vector<16xi32>
      %parallel_loop3A_397 = arith.constant 0.000000e+00 : f32
      %parallel_loop3A_398 = vector.broadcast %parallel_loop3A_397 : f32 to vector<16xf32>
      %parallel_loop3A_399 = arith.subf %parallel_loop3A_395, %parallel_loop3A_398 : vector<16xf32>
      %parallel_loop3A_400 = arith.constant -5.000000e-01 : f32
      %parallel_loop3A_401 = vector.broadcast %parallel_loop3A_400 : f32 to vector<16xf32>
      %parallel_loop3A_402 = arith.mulf %parallel_loop3A_401, %parallel_loop3A_399 : vector<16xf32>
      %parallel_loop3A_403 = arith.mulf %parallel_loop3A_402, %parallel_loop3A_399 : vector<16xf32>
      %parallel_loop3A_404 = math.exp %parallel_loop3A_403 : vector<16xf32>
      %parallel_loop3A_405 = arith.constant 0 : i32
      %parallel_loop3A_406 = vector.broadcast %parallel_loop3A_405 : i32 to vector<16xi32>
      %parallel_loop3A_407 = arith.addi %parallel_loop3A_396, %parallel_loop3A_406 : vector<16xi32>
      tpu.vector_store_idx %arg5[%parallel_loop3A_407], %parallel_loop3A_404 masked %parallel_loop3A_265 {add = true} : memref<3072xf32, #tpu.memory_space<vmem>>[vector<16xi32>], vector<16xf32>, vector<16xi1>
      %parallel_loop3A_408 = arith.constant 1.000000e+00 : f32
      %parallel_loop3A_409 = vector.broadcast %parallel_loop3A_408 : f32 to vector<16xf32>
      %parallel_loop3A_410 = arith.subf %parallel_loop3A_395, %parallel_loop3A_409 : vector<16xf32>
      %parallel_loop3A_411 = arith.constant -5.000000e-01 : f32
      %parallel_loop3A_412 = vector.broadcast %parallel_loop3A_411 : f32 to vector<16xf32>
      %parallel_loop3A_413 = arith.mulf %parallel_loop3A_412, %parallel_loop3A_410 : vector<16xf32>
      %parallel_loop3A_414 = arith.mulf %parallel_loop3A_413, %parallel_loop3A_410 : vector<16xf32>
      %parallel_loop3A_415 = math.exp %parallel_loop3A_414 : vector<16xf32>
      %parallel_loop3A_416 = arith.constant 1 : i32
      %parallel_loop3A_417 = vector.broadcast %parallel_loop3A_416 : i32 to vector<16xi32>
      %parallel_loop3A_418 = arith.addi %parallel_loop3A_396, %parallel_loop3A_417 : vector<16xi32>
      tpu.vector_store_idx %arg5[%parallel_loop3A_418], %parallel_loop3A_415 masked %parallel_loop3A_265 {add = true} : memref<3072xf32, #tpu.memory_space<vmem>>[vector<16xi32>], vector<16xf32>, vector<16xi1>
      %parallel_loop3A_419 = arith.constant 2.000000e+00 : f32
      %parallel_loop3A_420 = vector.broadcast %parallel_loop3A_419 : f32 to vector<16xf32>
      %parallel_loop3A_421 = arith.subf %parallel_loop3A_395, %parallel_loop3A_420 : vector<16xf32>
      %parallel_loop3A_422 = arith.constant -5.000000e-01 : f32
      %parallel_loop3A_423 = vector.broadcast %parallel_loop3A_422 : f32 to vector<16xf32>
      %parallel_loop3A_424 = arith.mulf %parallel_loop3A_423, %parallel_loop3A_421 : vector<16xf32>
      %parallel_loop3A_425 = arith.mulf %parallel_loop3A_424, %parallel_loop3A_421 : vector<16xf32>
      %parallel_loop3A_426 = math.exp %parallel_loop3A_425 : vector<16xf32>
      %parallel_loop3A_427 = arith.constant 2 : i32
      %parallel_loop3A_428 = vector.broadcast %parallel_loop3A_427 : i32 to vector<16xi32>
      %parallel_loop3A_429 = arith.addi %parallel_loop3A_396, %parallel_loop3A_428 : vector<16xi32>
      tpu.vector_store_idx %arg5[%parallel_loop3A_429], %parallel_loop3A_426 masked %parallel_loop3A_265 {add = true} : memref<3072xf32, #tpu.memory_space<vmem>>[vector<16xi32>], vector<16xf32>, vector<16xi1>
      %parallel_loop3A_430 = arith.constant 3.000000e+00 : f32
      %parallel_loop3A_431 = vector.broadcast %parallel_loop3A_430 : f32 to vector<16xf32>
      %parallel_loop3A_432 = arith.subf %parallel_loop3A_395, %parallel_loop3A_431 : vector<16xf32>
      %parallel_loop3A_433 = arith.constant -5.000000e-01 : f32
      %parallel_loop3A_434 = vector.broadcast %parallel_loop3A_433 : f32 to vector<16xf32>
      %parallel_loop3A_435 = arith.mulf %parallel_loop3A_434, %parallel_loop3A_432 : vector<16xf32>
      %parallel_loop3A_436 = arith.mulf %parallel_loop3A_435, %parallel_loop3A_432 : vector<16xf32>
      %parallel_loop3A_437 = math.exp %parallel_loop3A_436 : vector<16xf32>
      %parallel_loop3A_438 = arith.constant 3 : i32
      %parallel_loop3A_439 = vector.broadcast %parallel_loop3A_438 : i32 to vector<16xi32>
      %parallel_loop3A_440 = arith.addi %parallel_loop3A_396, %parallel_loop3A_439 : vector<16xi32>
      tpu.vector_store_idx %arg5[%parallel_loop3A_440], %parallel_loop3A_437 masked %parallel_loop3A_265 {add = true} : memref<3072xf32, #tpu.memory_space<vmem>>[vector<16xi32>], vector<16xf32>, vector<16xi1>
      %parallel_loop3A_441 = arith.constant 4.000000e+00 : f32
      %parallel_loop3A_442 = vector.broadcast %parallel_loop3A_441 : f32 to vector<16xf32>
      %parallel_loop3A_443 = arith.subf %parallel_loop3A_395, %parallel_loop3A_442 : vector<16xf32>
      %parallel_loop3A_444 = arith.constant -5.000000e-01 : f32
      %parallel_loop3A_445 = vector.broadcast %parallel_loop3A_444 : f32 to vector<16xf32>
      %parallel_loop3A_446 = arith.mulf %parallel_loop3A_445, %parallel_loop3A_443 : vector<16xf32>
      %parallel_loop3A_447 = arith.mulf %parallel_loop3A_446, %parallel_loop3A_443 : vector<16xf32>
      %parallel_loop3A_448 = math.exp %parallel_loop3A_447 : vector<16xf32>
      %parallel_loop3A_449 = arith.constant 4 : i32
      %parallel_loop3A_450 = vector.broadcast %parallel_loop3A_449 : i32 to vector<16xi32>
      %parallel_loop3A_451 = arith.addi %parallel_loop3A_396, %parallel_loop3A_450 : vector<16xi32>
      tpu.vector_store_idx %arg5[%parallel_loop3A_451], %parallel_loop3A_448 masked %parallel_loop3A_265 {add = true} : memref<3072xf32, #tpu.memory_space<vmem>>[vector<16xi32>], vector<16xf32>, vector<16xi1>
      %parallel_loop3A_452 = arith.constant 5.000000e+00 : f32
      %parallel_loop3A_453 = vector.broadcast %parallel_loop3A_452 : f32 to vector<16xf32>
      %parallel_loop3A_454 = arith.subf %parallel_loop3A_395, %parallel_loop3A_453 : vector<16xf32>
      %parallel_loop3A_455 = arith.constant -5.000000e-01 : f32
      %parallel_loop3A_456 = vector.broadcast %parallel_loop3A_455 : f32 to vector<16xf32>
      %parallel_loop3A_457 = arith.mulf %parallel_loop3A_456, %parallel_loop3A_454 : vector<16xf32>
      %parallel_loop3A_458 = arith.mulf %parallel_loop3A_457, %parallel_loop3A_454 : vector<16xf32>
      %parallel_loop3A_459 = math.exp %parallel_loop3A_458 : vector<16xf32>
      %parallel_loop3A_460 = arith.constant 5 : i32
      %parallel_loop3A_461 = vector.broadcast %parallel_loop3A_460 : i32 to vector<16xi32>
      %parallel_loop3A_462 = arith.addi %parallel_loop3A_396, %parallel_loop3A_461 : vector<16xi32>
      tpu.vector_store_idx %arg5[%parallel_loop3A_462], %parallel_loop3A_459 masked %parallel_loop3A_265 {add = true} : memref<3072xf32, #tpu.memory_space<vmem>>[vector<16xi32>], vector<16xf32>, vector<16xi1>
      %parallel_loop3A_463 = arith.constant 6.000000e+00 : f32
      %parallel_loop3A_464 = vector.broadcast %parallel_loop3A_463 : f32 to vector<16xf32>
      %parallel_loop3A_465 = arith.subf %parallel_loop3A_395, %parallel_loop3A_464 : vector<16xf32>
      %parallel_loop3A_466 = arith.constant -5.000000e-01 : f32
      %parallel_loop3A_467 = vector.broadcast %parallel_loop3A_466 : f32 to vector<16xf32>
      %parallel_loop3A_468 = arith.mulf %parallel_loop3A_467, %parallel_loop3A_465 : vector<16xf32>
      %parallel_loop3A_469 = arith.mulf %parallel_loop3A_468, %parallel_loop3A_465 : vector<16xf32>
      %parallel_loop3A_470 = math.exp %parallel_loop3A_469 : vector<16xf32>
      %parallel_loop3A_471 = arith.constant 6 : i32
      %parallel_loop3A_472 = vector.broadcast %parallel_loop3A_471 : i32 to vector<16xi32>
      %parallel_loop3A_473 = arith.addi %parallel_loop3A_396, %parallel_loop3A_472 : vector<16xi32>
      tpu.vector_store_idx %arg5[%parallel_loop3A_473], %parallel_loop3A_470 masked %parallel_loop3A_265 {add = true} : memref<3072xf32, #tpu.memory_space<vmem>>[vector<16xi32>], vector<16xf32>, vector<16xi1>
      %parallel_loop3A_474 = arith.constant 7.000000e+00 : f32
      %parallel_loop3A_475 = vector.broadcast %parallel_loop3A_474 : f32 to vector<16xf32>
      %parallel_loop3A_476 = arith.subf %parallel_loop3A_395, %parallel_loop3A_475 : vector<16xf32>
      %parallel_loop3A_477 = arith.constant -5.000000e-01 : f32
      %parallel_loop3A_478 = vector.broadcast %parallel_loop3A_477 : f32 to vector<16xf32>
      %parallel_loop3A_479 = arith.mulf %parallel_loop3A_478, %parallel_loop3A_476 : vector<16xf32>
      %parallel_loop3A_480 = arith.mulf %parallel_loop3A_479, %parallel_loop3A_476 : vector<16xf32>
      %parallel_loop3A_481 = math.exp %parallel_loop3A_480 : vector<16xf32>
      %parallel_loop3A_482 = arith.constant 7 : i32
      %parallel_loop3A_483 = vector.broadcast %parallel_loop3A_482 : i32 to vector<16xi32>
      %parallel_loop3A_484 = arith.addi %parallel_loop3A_396, %parallel_loop3A_483 : vector<16xi32>
      tpu.vector_store_idx %arg5[%parallel_loop3A_484], %parallel_loop3A_481 masked %parallel_loop3A_265 {add = true} : memref<3072xf32, #tpu.memory_space<vmem>>[vector<16xi32>], vector<16xf32>, vector<16xi1>
    } {sc.loop_unroll_factor = 1 : i64, sc.parallel_access}
    %parallel_loop3A_10 = arith.constant 0 : i32
    %parallel_loop3A_11 = arith.constant 12 : i32
    %parallel_loop3A_12 = arith.constant 1 : i32
    scf.for %parallel_loop3A_13 = %parallel_loop3A_10 to %parallel_loop3A_11 step %parallel_loop3A_12  : i32 {
      %parallel_loop3A_14 = arith.constant 16 : i32
      %parallel_loop3A_15 = arith.muli %parallel_loop3A_13, %parallel_loop3A_14 : i32
      %parallel_loop3A_16 = arith.index_cast %parallel_loop3A_15 : i32 to index
      %parallel_loop3A_17 = tpu.vector_load %arg5[%parallel_loop3A_16] {strides = array<i32>} : memref<3072xf32, #tpu.memory_space<vmem>>, vector<16xf32>,
      %parallel_loop3A_18 = arith.constant 16 : i32
      %parallel_loop3A_19 = arith.muli %parallel_loop3A_13, %parallel_loop3A_18 : i32
      %parallel_loop3A_20 = arith.constant 192 : i32
      %parallel_loop3A_21 = arith.addi %parallel_loop3A_20, %parallel_loop3A_19 : i32
      %parallel_loop3A_22 = arith.index_cast %parallel_loop3A_21 : i32 to index
      %parallel_loop3A_23 = tpu.vector_load %arg5[%parallel_loop3A_22] {strides = array<i32>} : memref<3072xf32, #tpu.memory_space<vmem>>, vector<16xf32>,
      %parallel_loop3A_24 = arith.addf %parallel_loop3A_17, %parallel_loop3A_23 : vector<16xf32>
      %parallel_loop3A_25 = arith.constant 16 : i32
      %parallel_loop3A_26 = arith.muli %parallel_loop3A_13, %parallel_loop3A_25 : i32
      %parallel_loop3A_27 = arith.constant 384 : i32
      %parallel_loop3A_28 = arith.addi %parallel_loop3A_27, %parallel_loop3A_26 : i32
      %parallel_loop3A_29 = arith.index_cast %parallel_loop3A_28 : i32 to index
      %parallel_loop3A_30 = tpu.vector_load %arg5[%parallel_loop3A_29] {strides = array<i32>} : memref<3072xf32, #tpu.memory_space<vmem>>, vector<16xf32>,
      %parallel_loop3A_31 = arith.addf %parallel_loop3A_24, %parallel_loop3A_30 : vector<16xf32>
      %parallel_loop3A_32 = arith.constant 16 : i32
      %parallel_loop3A_33 = arith.muli %parallel_loop3A_13, %parallel_loop3A_32 : i32
      %parallel_loop3A_34 = arith.constant 576 : i32
      %parallel_loop3A_35 = arith.addi %parallel_loop3A_34, %parallel_loop3A_33 : i32
      %parallel_loop3A_36 = arith.index_cast %parallel_loop3A_35 : i32 to index
      %parallel_loop3A_37 = tpu.vector_load %arg5[%parallel_loop3A_36] {strides = array<i32>} : memref<3072xf32, #tpu.memory_space<vmem>>, vector<16xf32>,
      %parallel_loop3A_38 = arith.addf %parallel_loop3A_31, %parallel_loop3A_37 : vector<16xf32>
      %parallel_loop3A_39 = arith.constant 16 : i32
      %parallel_loop3A_40 = arith.muli %parallel_loop3A_13, %parallel_loop3A_39 : i32
      %parallel_loop3A_41 = arith.constant 768 : i32
      %parallel_loop3A_42 = arith.addi %parallel_loop3A_41, %parallel_loop3A_40 : i32
      %parallel_loop3A_43 = arith.index_cast %parallel_loop3A_42 : i32 to index
      %parallel_loop3A_44 = tpu.vector_load %arg5[%parallel_loop3A_43] {strides = array<i32>} : memref<3072xf32, #tpu.memory_space<vmem>>, vector<16xf32>,
      %parallel_loop3A_45 = arith.addf %parallel_loop3A_38, %parallel_loop3A_44 : vector<16xf32>
      %parallel_loop3A_46 = arith.constant 16 : i32
      %parallel_loop3A_47 = arith.muli %parallel_loop3A_13, %parallel_loop3A_46 : i32
      %parallel_loop3A_48 = arith.constant 960 : i32
      %parallel_loop3A_49 = arith.addi %parallel_loop3A_48, %parallel_loop3A_47 : i32
      %parallel_loop3A_50 = arith.index_cast %parallel_loop3A_49 : i32 to index
      %parallel_loop3A_51 = tpu.vector_load %arg5[%parallel_loop3A_50] {strides = array<i32>} : memref<3072xf32, #tpu.memory_space<vmem>>, vector<16xf32>,
      %parallel_loop3A_52 = arith.addf %parallel_loop3A_45, %parallel_loop3A_51 : vector<16xf32>
      %parallel_loop3A_53 = arith.constant 16 : i32
      %parallel_loop3A_54 = arith.muli %parallel_loop3A_13, %parallel_loop3A_53 : i32
      %parallel_loop3A_55 = arith.constant 1152 : i32
      %parallel_loop3A_56 = arith.addi %parallel_loop3A_55, %parallel_loop3A_54 : i32
      %parallel_loop3A_57 = arith.index_cast %parallel_loop3A_56 : i32 to index
      %parallel_loop3A_58 = tpu.vector_load %arg5[%parallel_loop3A_57] {strides = array<i32>} : memref<3072xf32, #tpu.memory_space<vmem>>, vector<16xf32>,
      %parallel_loop3A_59 = arith.addf %parallel_loop3A_52, %parallel_loop3A_58 : vector<16xf32>
      %parallel_loop3A_60 = arith.constant 16 : i32
      %parallel_loop3A_61 = arith.muli %parallel_loop3A_13, %parallel_loop3A_60 : i32
      %parallel_loop3A_62 = arith.constant 1344 : i32
      %parallel_loop3A_63 = arith.addi %parallel_loop3A_62, %parallel_loop3A_61 : i32
      %parallel_loop3A_64 = arith.index_cast %parallel_loop3A_63 : i32 to index
      %parallel_loop3A_65 = tpu.vector_load %arg5[%parallel_loop3A_64] {strides = array<i32>} : memref<3072xf32, #tpu.memory_space<vmem>>, vector<16xf32>,
      %parallel_loop3A_66 = arith.addf %parallel_loop3A_59, %parallel_loop3A_65 : vector<16xf32>
      %parallel_loop3A_67 = arith.constant 16 : i32
      %parallel_loop3A_68 = arith.muli %parallel_loop3A_13, %parallel_loop3A_67 : i32
      %parallel_loop3A_69 = arith.constant 1536 : i32
      %parallel_loop3A_70 = arith.addi %parallel_loop3A_69, %parallel_loop3A_68 : i32
      %parallel_loop3A_71 = arith.index_cast %parallel_loop3A_70 : i32 to index
      %parallel_loop3A_72 = tpu.vector_load %arg5[%parallel_loop3A_71] {strides = array<i32>} : memref<3072xf32, #tpu.memory_space<vmem>>, vector<16xf32>,
      %parallel_loop3A_73 = arith.addf %parallel_loop3A_66, %parallel_loop3A_72 : vector<16xf32>
      %parallel_loop3A_74 = arith.constant 16 : i32
      %parallel_loop3A_75 = arith.muli %parallel_loop3A_13, %parallel_loop3A_74 : i32
      %parallel_loop3A_76 = arith.constant 1728 : i32
      %parallel_loop3A_77 = arith.addi %parallel_loop3A_76, %parallel_loop3A_75 : i32
      %parallel_loop3A_78 = arith.index_cast %parallel_loop3A_77 : i32 to index
      %parallel_loop3A_79 = tpu.vector_load %arg5[%parallel_loop3A_78] {strides = array<i32>} : memref<3072xf32, #tpu.memory_space<vmem>>, vector<16xf32>,
      %parallel_loop3A_80 = arith.addf %parallel_loop3A_73, %parallel_loop3A_79 : vector<16xf32>
      %parallel_loop3A_81 = arith.constant 16 : i32
      %parallel_loop3A_82 = arith.muli %parallel_loop3A_13, %parallel_loop3A_81 : i32
      %parallel_loop3A_83 = arith.constant 1920 : i32
      %parallel_loop3A_84 = arith.addi %parallel_loop3A_83, %parallel_loop3A_82 : i32
      %parallel_loop3A_85 = arith.index_cast %parallel_loop3A_84 : i32 to index
      %parallel_loop3A_86 = tpu.vector_load %arg5[%parallel_loop3A_85] {strides = array<i32>} : memref<3072xf32, #tpu.memory_space<vmem>>, vector<16xf32>,
      %parallel_loop3A_87 = arith.addf %parallel_loop3A_80, %parallel_loop3A_86 : vector<16xf32>
      %parallel_loop3A_88 = arith.constant 16 : i32
      %parallel_loop3A_89 = arith.muli %parallel_loop3A_13, %parallel_loop3A_88 : i32
      %parallel_loop3A_90 = arith.constant 2112 : i32
      %parallel_loop3A_91 = arith.addi %parallel_loop3A_90, %parallel_loop3A_89 : i32
      %parallel_loop3A_92 = arith.index_cast %parallel_loop3A_91 : i32 to index
      %parallel_loop3A_93 = tpu.vector_load %arg5[%parallel_loop3A_92] {strides = array<i32>} : memref<3072xf32, #tpu.memory_space<vmem>>, vector<16xf32>,
      %parallel_loop3A_94 = arith.addf %parallel_loop3A_87, %parallel_loop3A_93 : vector<16xf32>
      %parallel_loop3A_95 = arith.constant 16 : i32
      %parallel_loop3A_96 = arith.muli %parallel_loop3A_13, %parallel_loop3A_95 : i32
      %parallel_loop3A_97 = arith.constant 2304 : i32
      %parallel_loop3A_98 = arith.addi %parallel_loop3A_97, %parallel_loop3A_96 : i32
      %parallel_loop3A_99 = arith.index_cast %parallel_loop3A_98 : i32 to index
      %parallel_loop3A_100 = tpu.vector_load %arg5[%parallel_loop3A_99] {strides = array<i32>} : memref<3072xf32, #tpu.memory_space<vmem>>, vector<16xf32>,
      %parallel_loop3A_101 = arith.addf %parallel_loop3A_94, %parallel_loop3A_100 : vector<16xf32>
      %parallel_loop3A_102 = arith.constant 16 : i32
      %parallel_loop3A_103 = arith.muli %parallel_loop3A_13, %parallel_loop3A_102 : i32
      %parallel_loop3A_104 = arith.constant 2496 : i32
      %parallel_loop3A_105 = arith.addi %parallel_loop3A_104, %parallel_loop3A_103 : i32
      %parallel_loop3A_106 = arith.index_cast %parallel_loop3A_105 : i32 to index
      %parallel_loop3A_107 = tpu.vector_load %arg5[%parallel_loop3A_106] {strides = array<i32>} : memref<3072xf32, #tpu.memory_space<vmem>>, vector<16xf32>,
      %parallel_loop3A_108 = arith.addf %parallel_loop3A_101, %parallel_loop3A_107 : vector<16xf32>
      %parallel_loop3A_109 = arith.constant 16 : i32
      %parallel_loop3A_110 = arith.muli %parallel_loop3A_13, %parallel_loop3A_109 : i32
      %parallel_loop3A_111 = arith.constant 2688 : i32
      %parallel_loop3A_112 = arith.addi %parallel_loop3A_111, %parallel_loop3A_110 : i32
      %parallel_loop3A_113 = arith.index_cast %parallel_loop3A_112 : i32 to index
      %parallel_loop3A_114 = tpu.vector_load %arg5[%parallel_loop3A_113] {strides = array<i32>} : memref<3072xf32, #tpu.memory_space<vmem>>, vector<16xf32>,
      %parallel_loop3A_115 = arith.addf %parallel_loop3A_108, %parallel_loop3A_114 : vector<16xf32>
      %parallel_loop3A_116 = arith.constant 16 : i32
      %parallel_loop3A_117 = arith.muli %parallel_loop3A_13, %parallel_loop3A_116 : i32
      %parallel_loop3A_118 = arith.constant 2880 : i32
      %parallel_loop3A_119 = arith.addi %parallel_loop3A_118, %parallel_loop3A_117 : i32
      %parallel_loop3A_120 = arith.index_cast %parallel_loop3A_119 : i32 to index
      %parallel_loop3A_121 = tpu.vector_load %arg5[%parallel_loop3A_120] {strides = array<i32>} : memref<3072xf32, #tpu.memory_space<vmem>>, vector<16xf32>,
      %parallel_loop3A_122 = arith.addf %parallel_loop3A_115, %parallel_loop3A_121 : vector<16xf32>
      %parallel_loop3A_123 = arith.constant 16 : i32
      %parallel_loop3A_124 = arith.muli %parallel_loop3A_13, %parallel_loop3A_123 : i32
      %parallel_loop3A_125 = arith.index_cast %parallel_loop3A_124 : i32 to index
      %parallel_loop3A_126 = tpu.vector_load %arg6[%parallel_loop3A_125] {strides = array<i32>} : memref<192xf32, #tpu.memory_space<vmem>>, vector<16xf32>,
      tpu.vector_store %arg6[%parallel_loop3A_125], %parallel_loop3A_122 {strides = array<i32>} : memref<192xf32, #tpu.memory_space<vmem>>, vector<16xf32>,
    } {sc.loop_unroll_factor = 1 : i64, sc.parallel_access}
    "tpu.region"() ({
      %run_scoped3A = tpu.sem_alloc : memref<!tpu.dma_semaphore, #tpu.memory_space<semaphore_mem>>
      %dma_start3A = arith.constant 0 : i32
      %dma_start3A_13 = tpu.memref_slice %arg3[%add3A, %dma_start3A] : memref<32x192xf32, #tpu.memory_space<hbm>> -> memref<1x192xf32, #tpu.memory_space<hbm>>
      %dma_start3A_14 = tpu.memref_squeeze %dma_start3A_13 : memref<1x192xf32, #tpu.memory_space<hbm>> -> memref<192xf32, #tpu.memory_space<hbm>>
      %dma_start3A_15 = arith.constant 0 : i32
      %dma_start3A_16 = tpu.memref_slice %arg3[%add3A, %dma_start3A_15] : memref<32x192xf32, #tpu.memory_space<hbm>> -> memref<1x192xf32, #tpu.memory_space<hbm>>
      %dma_start3A_17 = tpu.memref_squeeze %dma_start3A_16 : memref<1x192xf32, #tpu.memory_space<hbm>> -> memref<192xf32, #tpu.memory_space<hbm>>
      tpu.enqueue_dma source(%arg6 : memref<192xf32, #tpu.memory_space<vmem>>) target(%dma_start3A_17 : memref<192xf32, #tpu.memory_space<hbm>>) target_semaphore(%run_scoped3A : memref<!tpu.dma_semaphore, #tpu.memory_space<semaphore_mem>>)
      %dma_wait3A = arith.constant 0 : i32
      %dma_wait3A_18 = tpu.memref_slice %arg3[%add3A, %dma_wait3A] : memref<32x192xf32, #tpu.memory_space<hbm>> -> memref<1x192xf32, #tpu.memory_space<hbm>>
      %dma_wait3A_19 = tpu.memref_squeeze %dma_wait3A_18 : memref<1x192xf32, #tpu.memory_space<hbm>> -> memref<192xf32, #tpu.memory_space<hbm>>
      %dma_wait3A_20 = arith.constant 0 : i32
      %dma_wait3A_21 = tpu.memref_slice %arg3[%add3A, %dma_wait3A_20] : memref<32x192xf32, #tpu.memory_space<hbm>> -> memref<1x192xf32, #tpu.memory_space<hbm>>
      %dma_wait3A_22 = tpu.memref_squeeze %dma_wait3A_21 : memref<1x192xf32, #tpu.memory_space<hbm>> -> memref<192xf32, #tpu.memory_space<hbm>>
      tpu.wait_dma2 semaphore(%run_scoped3A : memref<!tpu.dma_semaphore, #tpu.memory_space<semaphore_mem>>) src(%arg6 : memref<192xf32, #tpu.memory_space<vmem>>) dst(%dma_wait3A_22 : memref<192xf32, #tpu.memory_space<hbm>>)
      tpu.yield
    }) : () -> ()
    return
  }
}

module attributes {stable_mosaic.version = 14 : i64} {
  func.func @_ep_body(%arg0: memref<32x192xf32, #tpu.memory_space<vmem>>, %arg1: memref<192xf32, #tpu.memory_space<vmem>>, %arg2: memref<180xf32, #tpu.memory_space<vmem>>) attributes {dimension_semantics = [], scalar_prefetch = 0 : i64, scratch_operands = 0 : i64, tpu.core_type = #tpu.core_type<tc>} {
    %get3A = arith.constant 0 : index
    %get3A_0 = arith.constant 0 : index
    %get3A_1 = vector.load %arg0[%get3A, %get3A_0] : memref<32x192xf32, #tpu.memory_space<vmem>>, vector<32x192xf32>
    %reduce_sum3A = arith.constant dense<0.000000e+00> : vector<192xf32>
    %reduce_sum3A_2 = vector.multi_reduction <add>, %get3A_1, %reduce_sum3A [0] : vector<32x192xf32> to vector<192xf32>
    %get3A_3 = arith.constant 0 : index
    %get3A_4 = vector.load %arg1[%get3A_3] : memref<192xf32, #tpu.memory_space<vmem>>, vector<192xf32>
    %reduce_sum3A_5 = vector.shape_cast %reduce_sum3A_2 : vector<192xf32> to vector<1x192xf32>
    %reduce_sum3A_6 = arith.constant dense<0.000000e+00> : vector<1xf32>
    %reduce_sum3A_7 = vector.multi_reduction <add>, %reduce_sum3A_5, %reduce_sum3A_6 [1] : vector<1x192xf32> to vector<1xf32>
    %reduce_sum3A_8 = vector.shape_cast %reduce_sum3A_7 : vector<1xf32> to vector<1x1xf32>
    %reduce_sum3A_9 = vector.extract %reduce_sum3A_8[0, 0] : f32 from vector<1x1xf32>
    %gt3A = arith.constant 0.000000e+00 : f32
    %gt3A_10 = arith.cmpf ogt, %reduce_sum3A_9, %gt3A : f32
    %select_n3A = arith.select %gt3A_10, %reduce_sum3A_2, %get3A_4 : vector<192xf32>
    %reduce_sum3A_11 = vector.shape_cast %select_n3A : vector<192xf32> to vector<1x192xf32>
    %reduce_sum3A_12 = arith.constant dense<0.000000e+00> : vector<1xf32>
    %reduce_sum3A_13 = vector.multi_reduction <add>, %reduce_sum3A_11, %reduce_sum3A_12 [1] : vector<1x192xf32> to vector<1xf32>
    %reduce_sum3A_14 = vector.shape_cast %reduce_sum3A_13 : vector<1xf32> to vector<1x1xf32>
    %reduce_sum3A_15 = vector.extract %reduce_sum3A_14[0, 0] : f32 from vector<1x1xf32>
    %div3A = vector.broadcast %reduce_sum3A_15 : f32 to vector<192xf32>
    %div3A_16 = arith.divf %select_n3A, %div3A : vector<192xf32>
    %slice3A = vector.extract_strided_slice %div3A_16 {offsets = [0], sizes = [180], strides = [1]} : vector<192xf32> to vector<180xf32>
    %swap3A = arith.constant 0 : index
    %swap3A_17 = vector.load %arg2[%swap3A] : memref<180xf32, #tpu.memory_space<vmem>>, vector<180xf32>
    tpu.vector_store %arg2[%swap3A], %slice3A {strides = array<i32>} : memref<180xf32, #tpu.memory_space<vmem>>, vector<180xf32>,
    return
  }
}

</mosaic_0001>

<sc_bundles>
// kernel: kernel.4.cloned.1.call-start
scs
__scs_entry_jumppad:
0x0: {  	(pc) =	sbr.rel $0x88, $3  }
0x1: {  	(tag) =	ssettag $0x0;
	lr =	simm.s32 $0x1  }
0x2: {  	[smem:$0x3FA0] =	sst lr;
	_ =	strace $0xD0000000  }
0x3: {  	_ = 	snop  }
0x4: {  	_ = 	snop  }
0x5: {  	_ = 	snop  }
0x6: {  	_ = 	snop  }
0x7: {  	_ = 	snop  }
__scs_overlays_trampoline_lowered:
0x8: {  	[smem:$0x3FAF] =	sst s0  }
0x9: {  	[smem:$0x3FB0] =	sst s1  }
0xa: {  	[smem:$0x3FB1] =	sst s2  }
0xb: {  	[smem:$0x3FB2] =	sst s3  }
0xc: {  	[smem:$0x3FB3] =	sst s4  }
0xd: {  	[smem:$0x3FB4] =	sst s5  }
0xe: {  	[smem:$0x3FB5] =	sst s6  }
0xf: {  	[smem:$0x3FB6] =	sst s7  }
0x10: {  	[smem:$0x3FB7] =	sst s8  }
0x11: {  	[smem:$0x3FB8] =	sst s9;
	s0 =	simm.s32 @!p0 $0x0  }
0x12: {  	s1 =	sld [smem:$0x3F9E];
	s0 =	simm.s32 @p0 $0x1  }
0x13: {  	[smem:$0x3FB9] =	sst s0;
	s0 =	simm.s32 @!p1 $0x0  }
0x14: {  	s2 =	sld [smem:$0x3F9D];
	s0 =	simm.s32 @p1 $0x1  }
0x15: {  	[smem:$0x3FBA] =	sst s0;
	s0 =	simm.s32 @!p2 $0x0  }
0x16: {  	s3 =	sld [smem:$0x3FDB];
	s0 =	simm.s32 @p2 $0x1  }
0x17: {  	s4 =	simm.s32 $0x1BF5;
	[smem:$0x3FBC] =	sst s0  }
0x18: {  	s0 =	sld [smem:$0x3F9F];
	_ =	swait.ge [sflag:s4], $0x0  }
0x19: {  	s7 =	sld [smem:$0x3FA0]  }
0x1a: {  	s8 =	sadd.s32 $0xFFFFE003, lr  }
0x1b: {  	s9 =	sadd.s32 $0xFFFFFEF7, lr;
	s5 =	simm.s32 $0xFFFFFFFF;
	p2 =	slt.u32 s8, $0xFFFFF086  }
0x1c: {  	p1 =	slt.u32 s9, $0xF7A;
	s5 =	simm.s32 @!p2 $0x0  }
0x1d: {  	s5 =	simm.s32 @p1 $0x1;
	p0 =	seq.s32 s7, s2  }
0x1e: {  	s7 =	smul.u32 @!p0 $0xF7A, s2;
	p2 =	seq.s32 @!p0 s5, $0x0  }
0x1f: {  	s9 =	smul.u32 $0xF7A, s1;
	s8 =	simm.s32 @!p0 $0x1BF5;
	p2 =	por !p2, p0  }
0x20: {  	[sflag:s8] =	ssyncset.s32 @!p0 $0xFFFFF086;
	s6 =	sadd.s32 @!p0 s3, s7;
	s7 =	simm.s32 @!p0 $0x108  }
0x21: {  	s3 =	sadd.s32 s3, s9;
	s6 =	sadd.s32 @!p0 $0x88, s6;
	s7 =	simm.s32 @p2 $0x1082  }
0x22: {  	[simem:s7], [sflag:s8] =	dma.local @!p0 [hbm:s6], $0xF7A  }
0x23: {  	s9 =	sor.u32 $0xD0000000, s2;
	s6 =	simm.s32 $0x108;
	_ =	swait.ge @!p0 [sflag:s8], $0x0  }
0x24: {  	s3 =	sadd.s32 $0x88, s3;
	s6 =	simm.s32 @!p1 $0x1082;
	[sflag:s4] =	ssyncset.s32 $0xFFFFF086  }
0x25: {  	[simem:s6], [sflag:s4] =	dma.local [hbm:s3], $0xF7A  }
0x26: {  	[smem:$0x3FA0] =	sst s1;
	(tag) =	ssettag s2;
	_ =	strace s9  }
0x27: {  	s1 =	sld [smem:$0x3FB0]  }
0x28: {  	s2 =	sld [smem:$0x3FB1]  }
0x29: {  	s4 =	sld [smem:$0x3FB3]  }
0x2a: {  	p0 =	seq.s32 s5, $0x0;
	s5 =	sld [smem:$0x3FB4]  }
0x2b: {  	s6 =	sld [smem:$0x3FB5]  }
0x2c: {  	s7 =	sld [smem:$0x3FB6]  }
0x2d: {  	s3 =	simm.s32 $0x108;
	s8 =	sld [smem:$0x3FB7]  }
0x2e: {  	s3 =	simm.s32 @!p0 $0x1082;
	s9 =	sld [smem:$0x3FB8]  }
0x2f: {  	lr =	sadd.s32 s0, s3;
	s0 =	sld [smem:$0x3FAF]  }
0x30: {  	s3 =	sld [smem:$0x3FB2]  }
0x31: {  	[smem:$0x3FBB] =	sst s10  }
0x32: {  	s10 =	sld [smem:$0x3FB9];
	_ =	sdelay $0x3  }
0x33: {  	p0 =	seq.s32 s10, $0x1;
	s10 =	sld [smem:$0x3FBB];
	_ =	sdelay $0x3  }
0x34: {  	[smem:$0x3FBB] =	sst s10  }
0x35: {  	s10 =	sld [smem:$0x3FBA];
	_ =	sdelay $0x3  }
0x36: {  	p1 =	seq.s32 s10, $0x1;
	s10 =	sld [smem:$0x3FBB];
	_ =	sdelay $0x3  }
0x37: {  	[smem:$0x3FBB] =	sst s10  }
0x38: {  	s10 =	sld [smem:$0x3FBC]  }
0x39: {  	_ = 	snop;
	(pc) =	sbr.ind lr, $3  }
0x3a: {  	_ = 	snop  }
0x3b: {  	_ = 	snop  }
0x3c: {  	p2 =	seq.s32 s10, $0x1;
	s10 =	sld [smem:$0x3FBB]  }
0x3d: {  	_ =	shalt  }
0x3e: {  	_ =	shalt  }
0x3f: {  	_ =	shalt  }
0x40: {  	_ =	shalt  }
0x41: {  	_ =	shalt  }
0x42: {  	_ =	shalt  }
0x43: {  	_ =	shalt  }
0x44: {  	_ =	shalt  }
0x45: {  	_ =	shalt  }
0x46: {  	_ =	shalt  }
0x47: {  	_ =	shalt  }
0x48: {  	_ =	shalt  }
0x49: {  	_ =	shalt  }
0x4a: {  	_ =	shalt  }
0x4b: {  	_ =	shalt  }
0x4c: {  	_ =	shalt  }
0x4d: {  	_ =	shalt  }
0x4e: {  	_ =	shalt  }
0x4f: {  	_ =	shalt  }
0x50: {  	_ =	shalt  }
0x51: {  	_ =	shalt  }
0x52: {  	_ =	shalt  }
0x53: {  	_ =	shalt  }
0x54: {  	_ =	shalt  }
0x55: {  	_ =	shalt  }
0x56: {  	_ =	shalt  }
0x57: {  	_ =	shalt  }
0x58: {  	_ =	shalt  }
0x59: {  	_ =	shalt  }
0x5a: {  	_ =	shalt  }
0x5b: {  	_ =	shalt  }
0x5c: {  	_ =	shalt  }
0x5d: {  	_ =	shalt  }
0x5e: {  	_ =	shalt  }
0x5f: {  	_ =	shalt  }
0x60: {  	_ =	shalt  }
0x61: {  	_ =	shalt  }
0x62: {  	_ =	shalt  }
0x63: {  	_ =	shalt  }
0x64: {  	_ =	shalt  }
0x65: {  	_ =	shalt  }
0x66: {  	_ =	shalt  }
0x67: {  	_ =	shalt  }
0x68: {  	_ =	shalt  }
0x69: {  	_ =	shalt  }
0x6a: {  	_ =	shalt  }
0x6b: {  	_ =	shalt  }
0x6c: {  	_ =	shalt  }
0x6d: {  	_ =	shalt  }
0x6e: {  	_ =	shalt  }
0x6f: {  	_ =	shalt  }
0x70: {  	_ =	shalt  }
0x71: {  	_ =	shalt  }
0x72: {  	_ =	shalt  }
0x73: {  	_ =	shalt  }
0x74: {  	_ =	shalt  }
0x75: {  	_ =	shalt  }
0x76: {  	_ =	shalt  }
0x77: {  	_ =	shalt  }
0x78: {  	_ =	shalt  }
0x79: {  	_ =	shalt  }
0x7a: {  	_ =	shalt  }
0x7b: {  	_ =	shalt  }
0x7c: {  	_ =	shalt  }
0x7d: {  	_ =	shalt  }
0x7e: {  	_ =	shalt  }
0x7f: {  	_ =	shalt  }
0x80: {  	_ =	shalt  }
0x81: {  	_ =	shalt  }
0x82: {  	_ =	shalt  }
0x83: {  	_ =	shalt  }
0x84: {  	_ =	shalt  }
0x85: {  	_ =	shalt  }
0x86: {  	_ =	shalt  }
0x87: {  	_ =	shalt  }
.Lfunc_end0:
.L_simem_size_0:
called_computation_lowered:
.L_overlay_start_0:
0x88: {  	s2 =	sld [smem:$0x3FD9]  }
0x89: {  	s3 =	sld [smem:$0x3FFE];
	_ =	sdelay $0x1  }
0x8a: {  	s1 =	srdreg.scid  }
0x8b: {  	s0 =	sand.u32 $0x1, s1  }
0x8c: {  	s16 =	sshll.u32 s0, $0xA;
	s2 =	sadd.s32 s3, s2  }
0x8d: {  	s2 =	sadd.s32 s2, s16  }
0x8e: {  	[smem:$0x3FC7] =	sst s2  }
0x8f: {  	_ = 	snop  }
0x90: {  	(tm) =	ssettm $0x1  }
0x91: {  	s17 =	sld [smem:$0x3FFB];
	_ =	sdelay $0x3  }
0x92: {  	_ =	strace s17  }
0x93: {  	s2 =	sld [smem:$0x3FFC];
	_ =	sdelay $0x3  }
0x94: {  	_ =	strace s2  }
0x95: {  	s2 =	sld [smem:$0x3FFD];
	_ =	sdelay $0x3  }
0x96: {  	_ =	strace s2  }
0x97: {  	_ =	strace $0x8FFFFFFF  }
0x98: {  	s18 =	sld [smem:$0x3FDB];
	_ =	sdelay $0x1  }
0x99: {  	s19 =	simm.s32 $_scs_section_size  }
0x9a: {  	s4 =	simm.s32 $_size__tile_overlayer_lowered;
	s5 =	simm.s32 $_tile_overlayer_lowered  }
0x9b: {  	s22 =	simm.s32 $0x1BFF;
	s21 =	sshll.u32 s5, $0x1;
	s2 =	sadd.s32 s19, s18  }
0x9c: {  	s6 =	simm.s32 $0x0;
	s20 =	sshll.u32 s4, $0x1;
	s4 =	sadd.s32 s21, s2  }
0x9d: {  	[timem:s6], [sflag:s22] =	dma.local [hbm:s4], s20  }
0x9e: {  	_ =	swait.ge [sflag:s22], s20  }
0x9f: {  	s3 =	ssub.s32 $0x0, s20;
	[sflag:s22] =	ssyncset.done $0x0  }
0xa0: {  	[sflag:s22] =	ssyncadd.s32 s3;
	_ =	sdelay $0x1  }
0xa1: {  	s23 =	simm.s32 $0x1B8B  }
0xa2: {  	_ =	swait.ge [sflag:s23], $0x1  }
0xa3: {  	[sflag:s23] =	ssyncset.done $0x0  }
0xa4: {  	s25 =	simm.s32 $0x1B8E;
	s24 =	sld [smem:$0x3FFE];
	[sflag:s23] =	ssyncadd.s32 $0xFFFFFFFF  }
0xa5: {  	s26 =	simm.s32 $execute0_lowered;
	[smem:$0x3FD2] =	sst s25  }
0xa6: {  	s4 =	sshll.u32 s26, $0x1;
	_ =	strace $0x80000046;
	[dreg:$0x1] =	wrdreg $0xFFFFFFFF  }
0xa7: {  	s28 =	simm.s32 $_size_execute0_lowered;
	s2 =	sadd.s32 s2, s4;
	[dreg:$0x0] =	wrdreg $0x0  }
0xa8: {  	s4 =	sshll.u32 s28, $0x1;
	[dreg:$0x2] =	wrdreg s2  }
0xa9: {  	[dreg:$0x3] =	wrdreg s4  }
0xaa: {  	[dreg:$0x4] =	wrdreg $0xC0  }
0xab: {  	_ =	task [dreg:s6], $0x5FFFF  }
0xac: {  	[dreg:$0x1] =	wrdreg $0xFFFFFFFF  }
0xad: {  	[dreg:$0x0] =	wrdreg $0x60  }
0xae: {  	[dreg:$0x2] =	wrdreg s24  }
0xaf: {  	[dreg:$0x3] =	wrdreg $0x9  }
0xb0: {  	_ =	task.clear_ibuf [dreg:s6], $0x4FFFF;
	_ =	strace $0x90000046  }
0xb1: {  	s29 =	simm.s32 $0x9;
	_ =	strace $0x80000048  }
0xb2: {  	_ =	swait.ge [sflag:s29], $0x1  }
0xb3: {  	[sflag:s29] =	ssyncadd.s32 $0xFFFFFFFF  }
0xb4: {  	_ =	strace $0x90000048  }
0xb5: {  	_ =	sfence  }
0xb6: {  	s30 =	sld [smem:$0x0];
	_ =	sdelay $0x2  }
0xb7: {  	s31 =	sshll.u32 s1, $0xD;
	s1 =	sshrl.u32 s1, $0x2  }
0xb8: {  	s3 =	sand.u32 $0x4000, s31;
	s1 =	sadd.s32 s1, s30  }
0xb9: {  	s0 =	sor.u32 s3, s0;
	s1 =	sshll.u32 s1, $0x11  }
0xba: {  	s0 =	sor.u32 s1, s0  }
0xbb: {  	s0 =	sadd.s32 $0x8F2B, s0  }
0xbc: {  	[sflag:s0] =	ssyncadd.remote.s32 $0x1  }
0xbd: {  	_ =	sfence.sel $0xFFFF  }
0xbe: {  	[dreg:$0x0] =	wrdreg $0xFFFFFFFF;
	(pc) =	sbr.abs _section_cstart, $3  }
0xbf: {  	[dreg:$0x1] =	wrdreg $0xFFFFFFFF  }
0xc0: {  	_ =	task.clear_ibuf [dreg:s6], $0x2FFFF;
	_ =	strace $0x9FFFFFFF  }
0xc1: {  	(tm) =	ssettm $0x7FFFFFFF  }
tec
execute0_lowered:
.L_overlay_start_1:
0x0: {  	(tag) =	ssettag $0x1  }
0x1: {  	s3 =	rddreg [dreg:$0x0];
	s2 =	srdreg.scid  }
0x2: {  	s0 =	rddreg [dreg:$0x1];
	s1 =	stileid.u32;
	s9 =	simm.s32 $0x400  }
0x3: {  	s10 =	simm.s32 $0x2400;
	s11 =	simm.s32 $0x0;
	s4 =	sand.u32 $0x1, s2  }
0x4: {  	s2 =	simm.s32 $0x0;
	s5 =	sshll.u32 s1, $0x4;
	s6 =	sshll.u32 s4, $0x4  }
0x5: {  	v0 =	vlaneseq.u32;
	[smem:$0x7FF] =	sst s2;
	s5 =	sand.u32 $0x70, s5;
	s6 =	sor.u32 s1, s6  }
0x6: {  	v1 =	vmul.u32 $0xC0, v0;
	s4 =	ssub.s32 $0x2, s4;
	s5 =	sadd.s32 s5, s3;
	s7 =	sshll.u32 s6, $0x5  }
0x7: {  	s8 =	sshrl.u32 s4, $0x1;
	s6 =	smul.u32 $0x300, s6;
	s7 =	sand.u32 $0x300, s7  }
0x8: {  	v2 =	vimm.f32 $0.0e+00;
	_ =	strace $0x80000047;
	v3 =	vor.u32 $0x1, v1;
	s8 =	ssub.s32 s4, s8;
	s31 =	sadd.s32 s7, s5  }
0x9: {  	v4 =	vor.u32 $0x2, v1;
	v5 =	vor.u32 $0x3, v1;
	v6 =	vor.u32 $0x4, v1;
	s3 =	sadd.s32 s3, s6;
	s5 =	smax.u32 s8, $0x1;
	s6 =	simm.s32 $0x1  }
0xa: {  	v7 =	vor.u32 $0x5, v1;
	v8 =	vor.u32 $0x6, v1;
	v9 =	vor.u32 $0x7, v1;
	s7 =	simm.s32 $0x1800;
	s8 =	simm.s32 $0x80;
	s4 =	sadd.s32 $0x6000, s31  }
.LBB2_1:
0xb: {  	[tilespmem:s2], [sflag:$0x1] =	stream.linear.gather [hbm4b:s3+s2], $0x1800, $0x38;
	[tilespmem:$0x2500] =	vst v63  }
0xc: {  	_ =	swait.ge [sflag:s6], $0x1800  }
0xd: {  	[sflag:s6] =	ssyncset.done $0x0  }
0xe: {  	s14 =	simm.s32 $0x1840;
	[sflag:s6] =	ssyncadd.s32 $0xFFFFE800  }
0xf: {  	[tilespmem:s14+$0xFFFFFFC0] =	vst v2  }
0x10: {  	[tilespmem:s14+$0x30] =	vst v2  }
0x11: {  	[tilespmem:s14+$0x20] =	vst v2  }
0x12: {  	[tilespmem:s14+$0x10] =	vst v2  }
0x13: {  	[tilespmem:s14+$0x0] =	vst v2  }
0x14: {  	[tilespmem:s14+$0xFFFFFFF0] =	vst v2  }
0x15: {  	s12 =	simm.s32 $0x0;
	s13 =	simm.s32 $0x62;
	[tilespmem:s14+$0xFFFFFFE0] =	vst v2  }
.LBB2_2:
0x16: {  	s12 =	sadd.s32 $0x80, s12;
	[tilespmem:s14+$0xFFFFFFD0] =	vst v2;
	s14 =	sadd.s32 $0x80, s14  }
0x17: {  	[tilespmem:s14+$0xFFFFFFC0] =	vst v2;
	p0 =	slt.u32 s12, $0xB80  }
0x18: {  	[tilespmem:s14+$0x30] =	vst v2  }
.Ltmp0:
0x19: {  	[tilespmem:s14+$0x20] =	vst v2;
	(pc) =	sbr.rel @p0 .LBB2_2-.Ltmp0, $4  }
0x1a: {  	[tilespmem:s14+$0x10] =	vst v2  }
0x1b: {  	[tilespmem:s14+$0x0] =	vst v2  }
0x1c: {  	[tilespmem:s14+$0xFFFFFFF0] =	vst v2  }
0x1d: {  	[tilespmem:s14+$0xFFFFFFE0] =	vst v2  }
0x1e: {  	s12 =	simm.s32 $0x0  }
0x1f: {  	s15 =	smulhi.u32 $0x24924925, s12  }
0x20: {  	s16 =	smul.u32 $0x25, s12  }
0x21: {  	s17 =	ssub.s32 $0x0, s15  }
0x22: {  	s16 =	sshrl.u32 s16, $0x8;
	s17 =	sshrl.u32 s17, $0x1  }
0x23: {  	s25 =	ssub.s32 $0x0, s16;
	s15 =	sadd.s32 s15, s17  }
0x24: {  	s17 =	sand.u32 $0xFE, s25;
	s15 =	sshrl.u32 s15, $0x2  }
0x25: {  	s17 =	sshrl.u32 s17, $0x1;
	s15 =	smul.u32 $0x70, s15  }
0x26: {  	s16 =	sadd.s32 s16, s17  }
0x27: {  	s16 =	sand.u32 $0xFC, s16;
	s26 =	ssub.s32 $0x0, s15  }
0x28: {  	s16 =	sshll.u32 s16, $0x5;
	s18 =	sand.u32 $0xFFFFFF80, s26  }
0x29: {  	s17 =	sand.u32 $0x70, s26;
	s16 =	sadd.s32 s18, s16  }
0x2a: {  	[tilespmem:s14+$0xFFFFFFD0] =	vst v2;
	s29 =	sor.u32 $0x1, s17;
	s28 =	sor.u32 s17, s16  }
0x2b: {  	s19 =	sor.u32 $0x2, s17;
	s30 =	sor.u32 s29, s16;
	v10 =	vld [tilespmem:s28+$0x0]  }
0x2c: {  	s31 =	sor.u32 s19, s16;
	s20 =	sadd.s32 $0x1000, s16;
	v11 =	vld [tilespmem:s30+$0x0]  }
0x2d: {  	s16 =	sadd.s32 $0x800, s16;
	v12 =	vld [tilespmem:s31+$0x0];
	s21 =	sor.u32 s17, s20  }
0x2e: {  	s22 =	sor.u32 s17, s16;
	v13 =	vld [tilespmem:s21+$0x0]  }
0x2f: {  	s23 =	sor.u32 s29, s16;
	v14 =	vld [tilespmem:s22+$0x0]  }
0x30: {  	s24 =	sor.u32 s19, s16;
	v15 =	vld [tilespmem:s23+$0x0]  }
0x31: {  	s25 =	sor.u32 s29, s20;
	v16 =	vld [tilespmem:s24+$0x0]  }
0x32: {  	s26 =	sor.u32 s19, s20;
	v17 =	vld [tilespmem:s25+$0x0]  }
0x33: {  	v18 =	vld [tilespmem:s26+$0x0];
	_ =	sdelay $0x1  }
0x34: {  	v10 =	vsub.f32 v10, v11;
	v11 =	vsub.f32 v12, v11  }
0x35: {  	v12 =	vsub.f32 v14, v15;
	v14 =	vsub.f32 v16, v15  }
0x36: {  	v13 =	vsub.f32 v13, v17;
	v15 =	vmul.f32 v10, v10;
	v16 =	vmul.f32 v11, v11  }
0x37: {  	v17 =	vsub.f32 v18, v17;
	v18 =	vmul.f32 v12, v12;
	v19 =	vmul.f32 v14, v14  }
0x38: {  	v20 =	vmul.f32 v13, v13  }
0x39: {  	v15 =	vadd.f32 v18, v15;
	v16 =	vadd.f32 v19, v16;
	v18 =	vmul.f32 v17, v17;
	_ =	sdelay $0x1  }
0x3a: {  	v15 =	vadd.f32 v20, v15;
	v16 =	vadd.f32 v18, v16;
	_ =	sdelay $0x1  }
0x3b: {  	v15 =	vmul.f32 v16, v15;
	_ =	sdelay $0x1  }
0x3c: {  	v16 =	vshra.s32 v15, $0x1;
	v15 =	vmul.f32 $5.000000000e-01, v15  }
0x3d: {  	vm0 =	vge.f32 v10, $1.000000000e+01;
	v16 =	vsub.s32 $0x5F3759DF, v16  }
0x3e: {  	vm1 =	vlt.f32 v10, $-1.000000000e+01;
	vm2 =	vge.f32 v11, $1.000000000e+01;
	v18 =	vmul.f32 v16, v15  }
0x3f: {  	vm3 =	vlt.f32 v11, $-1.000000000e+01;
	vm4 =	vge.f32 v13, $1.000000000e+01;
	vm5 =	vlt.f32 v13, $-1.000000000e+01  }
0x40: {  	vm6 =	vge.f32 v17, $1.000000000e+01;
	vm7 =	vlt.f32 v17, $-1.000000000e+01;
	v18 =	vmul.f32 v16, v18  }
0x41: {  	v21 =	vsel vm2, $0xC1A00000, v2;
	v22 =	vsel vm3, $0x41A00000, v2;
	vm2 =	vge.f32 v14, $1.000000000e+01  }
0x42: {  	vm3 =	vlt.f32 v14, $-1.000000000e+01;
	v23 =	vsel vm4, $0xC1A00000, v2;
	v18 =	vsub.f32 $1.500000000e+00, v18  }
0x43: {  	v24 =	vsel vm5, $0x41A00000, v2;
	v21 =	vadd.f32 v22, v21;
	v27 =	vsel vm2, $0xC1A00000, v2  }
0x44: {  	v19 =	vsel vm0, $0xC1A00000, v2;
	vm0 =	vge.f32 v12, $1.000000000e+01;
	v16 =	vmul.f32 v16, v18  }
0x45: {  	v28 =	vsel vm3, $0x41A00000, v2;
	v23 =	vadd.f32 v24, v23;
	v22 =	vsel vm0, $0xC1A00000, v2  }
0x46: {  	s28 =	simm.s32 $0x1;
	v20 =	vsel vm1, $0x41A00000, v2;
	vm1 =	vlt.f32 v12, $-1.000000000e+01;
	v25 =	vmul.f32 v16, v15  }
0x47: {  	s29 =	smulhi.u32 $0x24924925, s28;
	v19 =	vadd.f32 v20, v19;
	v20 =	vsel vm7, $0x41A00000, v2;
	v18 =	vsel vm6, $0xC1A00000, v2  }
0x48: {  	s14 =	smul.u32 $0x25, s28;
	v26 =	vsel vm1, $0x41A00000, v2;
	v18 =	vadd.f32 v20, v18;
	v20 =	vmul.f32 v25, v16  }
0x49: {  	s30 =	ssub.s32 $0x1, s29;
	v24 =	vadd.f32 v28, v27;
	v22 =	vadd.f32 v26, v22  }
0x4a: {  	s31 =	sshrl.u32 s14, $0x8;
	s17 =	sshrl.u32 s30, $0x1;
	v25 =	vmul.f32 v11, v10;
	v10 =	vadd.f32 v19, v10;
	v19 =	vsub.f32 $1.500000000e+00, v20  }
0x4b: {  	s19 =	ssub.s32 $0x1, s31;
	s17 =	sadd.s32 s29, s17;
	v11 =	vadd.f32 v21, v11;
	v20 =	vmul.f32 v14, v12;
	v14 =	vadd.f32 v24, v14  }
0x4c: {  	s16 =	sand.u32 $0xFE, s19;
	s14 =	sshrl.u32 s17, $0x2;
	v12 =	vadd.f32 v22, v12;
	v10 =	vmul.f32 v10, v10;
	v16 =	vmul.f32 v19, v16  }
0x4d: {  	s16 =	sshrl.u32 s16, $0x1;
	s14 =	smul.u32 $0x70, s14;
	v18 =	vadd.f32 v18, v17;
	v11 =	vmul.f32 v11, v11;
	v14 =	vmul.f32 v14, v14  }
0x4e: {  	s16 =	sadd.s32 s31, s16;
	v19 =	vadd.f32 v23, v13;
	v12 =	vmul.f32 v12, v12;
	v15 =	vmul.f32 v16, v15  }
0x4f: {  	s16 =	sand.u32 $0xFC, s16;
	s20 =	ssub.s32 $0x10, s14;
	v18 =	vmul.f32 v18, v18;
	v21 =	vadd.f32 $0.0e+00, v25;
	v11 =	vadd.f32 v14, v11  }
0x50: {  	s16 =	sshll.u32 s16, $0x5;
	s21 =	sand.u32 $0xFFFFFF80, s20;
	s17 =	sand.u32 $0x70, s20;
	v10 =	vadd.f32 v12, v10;
	v12 =	vmul.f32 v19, v19;
	v14 =	vmul.f32 v15, v16  }
0x51: {  	s16 =	sadd.s32 s21, s16;
	s22 =	sor.u32 $0x1, s17;
	s24 =	sor.u32 $0x2, s17;
	v13 =	vmul.f32 v17, v13;
	v15 =	vadd.f32 v20, v21;
	v11 =	vadd.f32 v18, v11  }
0x52: {  	s18 =	sor.u32 s17, s16;
	s23 =	sor.u32 s22, s16;
	s21 =	sadd.s32 $0x1000, s16;
	v10 =	vadd.f32 v12, v10;
	v14 =	vsub.f32 $1.500000000e+00, v14  }
0x53: {  	s25 =	sor.u32 s24, s16;
	s16 =	sadd.s32 $0x800, s16;
	s28 =	sor.u32 s22, s21;
	v12 =	vadd.f32 v13, v15;
	vm0 =	vlt.f32 v11, $0.0e+00  }
0x54: {  	s26 =	sor.u32 s17, s21;
	s17 =	sor.u32 s17, s16;
	v17 =	vld [tilespmem:s28+$0x0];
	vm1 =	vgt.f32 v11, $0.0e+00;
	vm2 =	vlt.f32 v10, $9.000000000e+00;
	v13 =	vmul.f32 v14, v16  }
0x55: {  	s29 =	sor.u32 s24, s21;
	v19 =	vld [tilespmem:s17+$0x0];
	vm3 =	vlt.f32 v10, $0.0e+00;
	vm4 =	vgt.f32 v10, $0.0e+00;
	vm5 =	vlt.f32 v11, $9.000000000e+00  }
0x56: {  	s15 =	sadd.s32 $0x62, s15;
	s30 =	sor.u32 s22, s16;
	v18 =	vld [tilespmem:s29+$0x0];
	vm3 =	vmor vm4, vm3;
	vm2 =	vmand vm2, vm5;
	v10 =	vmul.f32 v13, v12  }
0x57: {  	v20 =	vld [tilespmem:s30+$0x0];
	v11 =	vmov s15;
	vm0 =	vmor vm1, vm0;
	vm1 =	vmand vm2, vm3  }
0x58: {  	v14 =	vld [tilespmem:s18+$0x0];
	vm2 =	vgt.s32 v11, v0;
	vm0 =	vmand vm0, vm1;
	v10 =	vmax.f32 v10, $-9.999998800e-01  }
0x59: {  	v16 =	vld [tilespmem:s23+$0x0];
	vm0 =	vmand vm2, vm0;
	v10 =	vmin.f32 v10, $9.999998800e-01  }
0x5a: {  	v12 =	vld [tilespmem:s25+$0x0];
	v10 =	vnsel vm0, $0x0, v10  }
0x5b: {  	s31 =	sor.u32 s24, s16;
	v13 =	vld [tilespmem:s26+$0x0];
	v11 =	vand.u32 $0x7FFFFFFF, v10  }
0x5c: {  	v21 =	vld [tilespmem:s31+$0x0];
	v22 =	vmul.f32 $-1.262491100e-03, v11;
	_ =	sdelay $0x1  }
0x5d: {  	v22 =	vadd.f32 $6.670089900e-03, v22  }
0x5e: {  	vm2 =	vmmov vm0;
	v15 =	vsub.f32 v14, v16;
	v14 =	vsub.f32 v12, v16  }
0x5f: {  	v12 =	vsub.f32 v13, v17;
	v13 =	vsub.f32 v18, v17;
	v16 =	vmul.f32 v22, v11  }
0x60: {  	vm1 =	vmmov vm0;
	v18 =	vsub.f32 v19, v20;
	v17 =	vsub.f32 v21, v20  }
0x61: {  	vm0 =	vmmov vm0;
	v19 =	vadd.f32 $-1.708812640e-02, v16;
	v16 =	vsub.f32 $1.000000000e+00, v11  }
0x62: {  	vm6 =	vge.f32 v15, $1.000000000e+01;
	vm5 =	vlt.f32 v15, $-1.000000000e+01;
	v26 =	vmul.f32 v15, v15  }
0x63: {  	v19 =	vmul.f32 v19, v11;
	v22 =	vshra.s32 v16, $0x1;
	v21 =	vmul.f32 $5.000000000e-01, v16  }
0x64: {  	v20 =	vmul.f32 v14, v15;
	vm9 =	vge.f32 v14, $1.000000000e+01;
	v22 =	vsub.s32 $0x5F3759DF, v22  }
0x65: {  	vm8 =	vlt.f32 v14, $-1.000000000e+01;
	v23 =	vadd.f32 $3.089188040e-02, v19;
	v24 =	vmul.f32 v22, v21  }
0x66: {  	v27 =	vmul.f32 v14, v14;
	vm3 =	vge.f32 v12, $1.000000000e+01;
	v29 =	vmul.f32 v18, v18  }
0x67: {  	vm4 =	vlt.f32 v12, $-1.000000000e+01;
	v23 =	vmul.f32 v23, v11;
	v28 =	vmul.f32 v22, v24  }
0x68: {  	v30 =	vmul.f32 v17, v17;
	vm7 =	vge.f32 v13, $1.000000000e+01;
	v26 =	vadd.f32 v29, v26  }
0x69: {  	v25 =	vmul.f32 v12, v12;
	v24 =	vadd.f32 $-5.017430340e-02, v23;
	v23 =	vsub.f32 $1.500000000e+00, v28  }
0x6a: {  	s16 =	simm.s32 $0x2;
	s15 =	simm.s32 $0x10;
	v27 =	vadd.f32 v30, v27;
	v19 =	vmul.f32 v17, v18;
	v28 =	vmul.f32 v13, v13  }
.LBB2_4:
0x6b: {  	p0 =	sne.s32 s16, $0x6F;
	vm10 =	vlt.f32 v13, $-1.000000000e+01;
	v24 =	vmul.f32 v24, v11;
	v22 =	vmul.f32 v22, v23  }
0x6c: {  	v23 =	vsel vm6, $0xC1A00000, v2;
	v25 =	vadd.f32 v25, v26;
	v26 =	vadd.f32 v28, v27  }
0x6d: {  	v27 =	vsel vm5, $0x41A00000, v2;
	v24 =	vadd.f32 $8.897899090e-02, v24;
	v21 =	vmul.f32 v22, v21  }
0x6e: {  	v29 =	vsel vm8, $0x41A00000, v2;
	v28 =	vsel vm9, $0xC1A00000, v2;
	v25 =	vmul.f32 v26, v25  }
0x6f: {  	vm5 =	vge.f32 v18, $1.000000000e+01;
	v24 =	vmul.f32 v24, v11;
	v21 =	vmul.f32 v21, v22  }
0x70: {  	vm6 =	vlt.f32 v18, $-1.000000000e+01;
	v26 =	vshra.s32 v25, $0x1;
	v25 =	vmul.f32 $5.000000000e-01, v25  }
0x71: {  	v26 =	vsub.s32 $0x5F3759DF, v26;
	v24 =	vadd.f32 $-2.145988050e-01, v24;
	v21 =	vsub.f32 $1.500000000e+00, v21  }
0x72: {  	vm8 =	vge.f32 v17, $1.000000000e+01;
	vm9 =	vlt.f32 v17, $-1.000000000e+01;
	v30 =	vmul.f32 v26, v25  }
0x73: {  	v20 =	vadd.f32 $0.0e+00, v20;
	v11 =	vmul.f32 v24, v11;
	v21 =	vmul.f32 v21, v22  }
0x74: {  	v22 =	vsel vm3, $0xC1A00000, v2;
	v24 =	vsel vm4, $0x41A00000, v2;
	v30 =	vmul.f32 v26, v30  }
0x75: {  	v31 =	vsel vm7, $0xC1A00000, v2;
	v11 =	vadd.f32 $1.570796250e+00, v11;
	v16 =	vmul.f32 v21, v16  }
0x76: {  	v21 =	vadd.f32 v27, v23;
	v23 =	vsel vm10, $0x41A00000, v2;
	v27 =	vsub.f32 $1.500000000e+00, v30  }
0x77: {  	v28 =	vadd.f32 v29, v28;
	v29 =	vsel vm5, $0xC1A00000, v2;
	v11 =	vmul.f32 v11, v16  }
0x78: {  	v30 =	vsel vm8, $0xC1A00000, v2;
	v16 =	vsel vm6, $0x41A00000, v2;
	v26 =	vmul.f32 v26, v27  }
0x79: {  	v22 =	vadd.f32 v24, v22;
	v27 =	vsel vm9, $0x41A00000, v2;
	v24 =	vsub.f32 $3.141592740e+00, v11  }
0x7a: {  	vm3 =	vlt.f32 v10, $0.0e+00;
	v23 =	vadd.f32 v23, v31;
	v31 =	vmul.f32 v26, v25  }
0x7b: {  	v10 =	vadd.f32 v16, v29;
	v16 =	vadd.f32 v27, v30;
	v11 =	vsel vm3, v24, v11  }
0x7c: {  	v19 =	vadd.f32 v19, v20;
	v20 =	vmul.f32 v31, v26;
	v11 =	vmul.f32 $5.697747040e+01, v11  }
0x7d: {  	v14 =	vadd.f32 v28, v14;
	v15 =	vadd.f32 v21, v15;
	v21 =	vmul.f32 v13, v12  }
0x7e: {  	v12 =	vadd.f32 v22, v12;
	v20 =	vsub.f32 $1.500000000e+00, v20;
	v22 =	vtrunc.f32 v11  }
0x7f: {  	v13 =	vadd.f32 v23, v13;
	v10 =	vadd.f32 v10, v18;
	v18 =	vcvt.f32.s32 v22  }
0x80: {  	v16 =	vadd.f32 v16, v17;
	v17 =	vadd.f32 v21, v19;
	v19 =	vmul.f32 v20, v26  }
0x81: {  	v14 =	vmul.f32 v14, v14;
	v15 =	vmul.f32 v15, v15;
	v18 =	vadd.s32 $0xFFFFFFFD, v18  }
0x82: {  	v16 =	vmul.f32 v16, v16;
	v20 =	vmul.f32 v19, v25;
	vm3 =	vgt.s32 v18, $0x0  }
0x83: {  	v13 =	vmul.f32 v13, v13;
	v10 =	vmul.f32 v10, v10;
	v18 =	vnsel vm3, $0x0, v18  }
0x84: {  	s13 =	sadd.s32 $0xFFFFFFF0, s13;
	v14 =	vadd.f32 v16, v14;
	v20 =	vmul.f32 v20, v19;
	v16 =	vmin.u32 v18, $0xAC  }
0x85: {  	s14 =	sadd.s32 s14, s13;
	v12 =	vmul.f32 v12, v12;
	v10 =	vadd.f32 v10, v15;
	v15 =	vcvt.s32.f32 v16  }
0x86: {  	v13 =	vadd.f32 v13, v14;
	v14 =	vmov s14;
	v18 =	vsub.f32 $1.500000000e+00, v20  }
0x87: {  	v10 =	vadd.f32 v12, v10;
	vm3 =	vgt.s32 v14, v0;
	v11 =	vsub.f32 v11, v15  }
0x88: {  	s14 =	smulhi.u32 $0x24924925, s16;
	vm5 =	vlt.f32 v13, $0.0e+00;
	vm6 =	vgt.f32 v13, $0.0e+00;
	v12 =	vmul.f32 v18, v19  }
0x89: {  	s17 =	smul.u32 $0x25, s16;
	vm4 =	vlt.f32 v10, $9.000000000e+00;
	v14 =	vmul.f32 $-5.000000000e-01, v11;
	v15 =	vadd.f32 $-1.000000000e+00, v11  }
0x8a: {  	s18 =	ssub.s32 s16, s14;
	v18 =	vadd.f32 $-3.000000000e+00, v11;
	v12 =	vmul.f32 v12, v17;
	v17 =	vadd.f32 $-2.000000000e+00, v11  }
0x8b: {  	s17 =	sshrl.u32 s17, $0x8;
	s18 =	sshrl.u32 s18, $0x1;
	v19 =	vadd.f32 $-4.000000000e+00, v11;
	v20 =	vadd.f32 $-5.000000000e+00, v11;
	v14 =	vmul.f32 v14, v11  }
0x8c: {  	s14 =	sadd.s32 s14, s18;
	s18 =	ssub.s32 s16, s17;
	v23 =	vadd.f32 $-6.000000000e+00, v11;
	v21 =	vmul.f32 $-5.000000000e-01, v15;
	v22 =	vmul.f32 $-5.000000000e-01, v17  }
0x8d: {  	s14 =	sshrl.u32 s14, $0x2;
	s18 =	sand.u32 $0xFE, s18;
	v24 =	vmul.f32 $-5.000000000e-01, v18;
	v25 =	vmul.f32 $-5.000000000e-01, v19;
	v11 =	vadd.f32 $-7.000000000e+00, v11  }
0x8e: {  	vm7 =	vlt.f32 v10, $0.0e+00;
	s14 =	smul.u32 $0x70, s14;
	s18 =	sshrl.u32 s18, $0x1;
	v26 =	vmul.f32 $-5.000000000e-01, v20;
	v27 =	vmul.f32 $-5.000000000e-01, v23  }
0x8f: {  	s15 =	sadd.s32 $0x10, s15;
	vm8 =	vgt.f32 v10, $0.0e+00;
	s17 =	sadd.s32 s17, s18;
	v10 =	vmul.f32 $1.442695020e+00, v14;
	v14 =	vmul.f32 $-5.000000000e-01, v11  }
0x90: {  	vm9 =	vlt.f32 v13, $9.000000000e+00;
	s18 =	ssub.s32 s15, s14;
	s17 =	sand.u32 $0xFC, s17;
	v13 =	vmul.f32 v21, v15;
	v15 =	vmul.f32 v22, v17  }
0x91: {  	vm5 =	vmor vm6, vm5;
	s19 =	sand.u32 $0xFFFFFF80, s18;
	s17 =	sshll.u32 s17, $0x5;
	v17 =	vmul.f32 v24, v18;
	v18 =	vmul.f32 v25, v19  }
0x92: {  	vm6 =	vmor vm8, vm7;
	s18 =	sand.u32 $0x70, s18;
	s17 =	sadd.s32 s19, s17;
	v19 =	vmul.f32 v26, v20;
	v20 =	vmul.f32 v27, v23  }
0x93: {  	vm4 =	vmand vm4, vm9;
	s20 =	sor.u32 $0x1, s18;
	s19 =	sor.u32 s18, s17;
	v13 =	vmul.f32 $1.442695020e+00, v13;
	v11 =	vmul.f32 v14, v11  }
0x94: {  	vm4 =	vmand vm4, vm6;
	s21 =	sor.u32 $0x2, s18;
	v15 =	vmul.f32 $1.442695020e+00, v15;
	v14 =	vld [tilespmem:s19+$0x0];
	s19 =	sor.u32 s20, s17;
	(erf) = vpow2.f32 v10  }
0x95: {  	vm4 =	vmand vm5, vm4;
	s22 =	sadd.s32 $0x1000, s17;
	v10 =	vmul.f32 $1.442695020e+00, v17;
	v21 =	vld [tilespmem:s19+$0x0];
	s19 =	sor.u32 s21, s17;
	(erf) = vpow2.f32 v13  }
0x96: {  	vm3 =	vmand vm3, vm4;
	v17 =	vmul.f32 $1.442695020e+00, v18;
	v13 =	vld [tilespmem:s19+$0x0];
	s19 =	sor.u32 s18, s22;
	(erf) = vpow2.f32 v15  }
0x97: {  	v12 =	vmax.f32 v12, $-9.999998800e-01;
	v15 =	vmul.f32 $1.442695020e+00, v19;
	v18 =	vld [tilespmem:s19+$0x0];
	s19 =	sor.u32 s20, s22;
	(erf) = vpow2.f32 v10  }
0x98: {  	s17 =	sadd.s32 $0x800, s17;
	v10 =	vmin.f32 v12, $9.999998800e-01;
	v12 =	vmul.f32 $1.442695020e+00, v20;
	v19 =	vld [tilespmem:s19+$0x0];
	s19 =	sor.u32 s21, s22;
	(erf) = vpow2.f32 v17  }
0x99: {  	v22 =	vmul.f32 $1.442695020e+00, v11;
	s18 =	sor.u32 s18, s17;
	v20 =	vadd.s32 v1, v16;
	v17 =	vld [tilespmem:s19+$0x0];
	(erf) = vpow2.f32 v15  }
0x9a: {  	v24 =	vadd.s32 v3, v16;
	v10 =	vnsel vm3, $0x0, v10;
	v23 =	vld [tilespmem:s18+$0x0];
	s18 =	sor.u32 s20, s17;
	(erf) = vpow2.f32 v12  }
0x9b: {  	v26 =	vadd.s32 v4, v16;
	v11 =	vand.u32 $0x7FFFFFFF, v10;
	s17 =	sor.u32 s21, s17;
	v25 =	vld [tilespmem:s18+$0x0];
	(erf) = vpow2.f32 v22  }
0x9c: {  	v28 =	vadd.s32 v5, v16;
	vm4 =	vmmov vm2;
	v27 =	vmul.f32 $-1.262491100e-03, v11;
	v22 =	vld [tilespmem:s17+$0x0]  }
0x9d: {  	v15 =	vsub.f32 v14, v21;
	v14 =	vsub.f32 v13, v21;
	v21 =	vadd.s32 v6, v16;
	v13 =	vpop (erf)  }
0x9e: {  	v12 =	vsub.f32 v18, v19;
	v18 =	vadd.f32 $6.670089900e-03, v27;
	v27 =	vadd.s32 v7, v16;
	[tilespmem:v20+s7+$0x0] =	vst.idx.add.f32.msk vm2, v13;
	v20 =	vpop (erf)  }
0x9f: {  	v13 =	vsub.f32 v17, v19;
	v19 =	vadd.s32 v8, v16;
	[tilespmem:v24+s7+$0x0] =	vst.idx.add.f32.msk vm2, v20;
	v17 =	vpop (erf);
	vm2 =	vmmov vm3  }
0xa0: {  	v20 =	vmul.f32 v18, v11;
	v24 =	vadd.s32 v9, v16;
	[tilespmem:v26+s7+$0x0] =	vst.idx.add.f32.msk vm1, v17;
	v16 =	vpop (erf);
	vm1 =	vmmov vm3  }
0xa1: {  	v18 =	vsub.f32 v23, v25;
	v17 =	vsub.f32 v22, v25;
	[tilespmem:v28+s7+$0x0] =	vst.idx.add.f32.msk vm0, v16;
	v22 =	vpop (erf);
	vm0 =	vmmov vm3  }
0xa2: {  	v23 =	vadd.f32 $-1.708812640e-02, v20;
	v16 =	vsub.f32 $1.000000000e+00, v11;
	[tilespmem:v21+s7+$0x0] =	vst.idx.add.f32.msk vm4, v22;
	v21 =	vpop (erf)  }
0xa3: {  	vm6 =	vge.f32 v15, $1.000000000e+01;
	vm5 =	vlt.f32 v15, $-1.000000000e+01;
	v20 =	vmul.f32 v14, v15;
	[tilespmem:v27+s7+$0x0] =	vst.idx.add.f32.msk vm4, v21;
	v22 =	vpop (erf)  }
0xa4: {  	v23 =	vmul.f32 v23, v11;
	v25 =	vshra.s32 v16, $0x1;
	v21 =	vmul.f32 $5.000000000e-01, v16;
	[tilespmem:v19+s7+$0x0] =	vst.idx.add.f32.msk vm4, v22;
	v19 =	vpop (erf)  }
0xa5: {  	vm9 =	vge.f32 v14, $1.000000000e+01;
	vm8 =	vlt.f32 v14, $-1.000000000e+01;
	v22 =	vsub.s32 $0x5F3759DF, v25;
	[tilespmem:v24+s7+$0x0] =	vst.idx.add.f32.msk vm4, v19  }
0xa6: {  	v26 =	vmul.f32 v15, v15;
	v23 =	vadd.f32 $3.089188040e-02, v23;
	v24 =	vmul.f32 v22, v21  }
.Ltmp1:
0xa7: {  	vm3 =	vge.f32 v12, $1.000000000e+01;
	v27 =	vmul.f32 v14, v14;
	v19 =	vmul.f32 v17, v18;
	(pc) =	sbr.rel @p0 .LBB2_4-.Ltmp1, $4  }
0xa8: {  	vm4 =	vlt.f32 v12, $-1.000000000e+01;
	v23 =	vmul.f32 v23, v11;
	v28 =	vmul.f32 v22, v24  }
0xa9: {  	vm7 =	vge.f32 v13, $1.000000000e+01;
	v29 =	vmul.f32 v18, v18;
	v30 =	vmul.f32 v17, v17  }
0xaa: {  	v25 =	vmul.f32 v12, v12;
	v24 =	vadd.f32 $-5.017430340e-02, v23;
	v23 =	vsub.f32 $1.500000000e+00, v28  }
0xab: {  	s16 =	sadd.s32 $0x1, s16;
	v26 =	vadd.f32 v29, v26;
	v27 =	vadd.f32 v30, v27;
	v28 =	vmul.f32 v13, v13  }
0xac: {  	_ = 	snop  }
0xad: {  	v25 =	vadd.f32 v25, v26;
	v54 =	vadd.f32 v28, v27;
	_ =	sdelay $0x1  }
0xae: {  	v25 =	vmul.f32 v54, v25;
	_ =	sdelay $0x1  }
0xaf: {  	v26 =	vshra.s32 v25, $0x1;
	v25 =	vmul.f32 $5.000000000e-01, v25  }
0xb0: {  	v26 =	vsub.s32 $0x5F3759DF, v26  }
0xb1: {  	v55 =	vmul.f32 v26, v25  }
0xb2: {  	vm10 =	vlt.f32 v13, $-1.000000000e+01;
	v24 =	vmul.f32 v24, v11  }
0xb3: {  	v56 =	vsel vm6, $0xC1A00000, v2;
	v29 =	vsel vm5, $0x41A00000, v2;
	v27 =	vmul.f32 v26, v55  }
0xb4: {  	v30 =	vsel vm9, $0xC1A00000, v2;
	v31 =	vsel vm8, $0x41A00000, v2;
	vm15 =	vge.f32 v18, $1.000000000e+01  }
0xb5: {  	vm12 =	vlt.f32 v18, $-1.000000000e+01;
	vm13 =	vge.f32 v17, $1.000000000e+01;
	v27 =	vsub.f32 $1.500000000e+00, v27  }
0xb6: {  	vm14 =	vlt.f32 v17, $-1.000000000e+01;
	v57 =	vsel vm3, $0xC1A00000, v2;
	v32 =	vsel vm4, $0x41A00000, v2  }
0xb7: {  	v33 =	vsel vm7, $0xC1A00000, v2;
	v20 =	vadd.f32 $0.0e+00, v20;
	v26 =	vmul.f32 v26, v27  }
0xb8: {  	v28 =	vadd.f32 v29, v56;
	v58 =	vsel vm10, $0x41A00000, v2;
	v30 =	vadd.f32 v31, v30  }
0xb9: {  	v59 =	vsel vm15, $0xC1A00000, v2;
	v34 =	vsel vm12, $0x41A00000, v2;
	v60 =	vmul.f32 v26, v25  }
0xba: {  	v61 =	vsel vm13, $0xC1A00000, v2;
	v62 =	vsel vm14, $0x41A00000, v2;
	v29 =	vadd.f32 v58, v33  }
0xbb: {  	v31 =	vadd.f32 v34, v59;
	v27 =	vadd.f32 v32, v57;
	v32 =	vmul.f32 v60, v26  }
0xbc: {  	v33 =	vadd.f32 v62, v61;
	v24 =	vadd.f32 $8.897899090e-02, v24  }
0xbd: {  	v15 =	vadd.f32 v28, v15;
	v63 =	vsub.f32 $1.500000000e+00, v32  }
0xbe: {  	v14 =	vadd.f32 v30, v14;
	v18 =	vadd.f32 v31, v18  }
0xbf: {  	v17 =	vadd.f32 v33, v17;
	v15 =	vmul.f32 v15, v15;
	v30 =	vmul.f32 v63, v26  }
0xc0: {  	v14 =	vmul.f32 v14, v14;
	v18 =	vmul.f32 v18, v18;
	v27 =	vadd.f32 v27, v12  }
0xc1: {  	v19 =	vadd.f32 v19, v20;
	v17 =	vmul.f32 v17, v17;
	v25 =	vmul.f32 v30, v25  }
0xc2: {  	v31 =	vadd.f32 v29, v13;
	v15 =	vadd.f32 v18, v15;
	v18 =	vmul.f32 v27, v27  }
0xc3: {  	v14 =	vadd.f32 v17, v14;
	v12 =	vmul.f32 v13, v12;
	v17 =	vmul.f32 v25, v30  }
0xc4: {  	v22 =	vmul.f32 v22, v23;
	v15 =	vadd.f32 v18, v15;
	v26 =	vmul.f32 v31, v31  }
0xc5: {  	v12 =	vadd.f32 v12, v19;
	v18 =	vmul.f32 v24, v11;
	v17 =	vsub.f32 $1.500000000e+00, v17  }
0xc6: {  	vm12 =	vlt.f32 v15, $0.0e+00;
	vm13 =	vgt.f32 v15, $0.0e+00;
	v13 =	vadd.f32 v26, v14  }
0xc7: {  	vm15 =	vlt.f32 v15, $9.000000000e+00;
	vm6 =	vmor vm13, vm12;
	v17 =	vmul.f32 v17, v30  }
0xc8: {  	s13 =	sadd.s32 $0xFFFFFFF0, s13;
	v14 =	vmul.f32 v22, v21;
	vm3 =	vlt.f32 v13, $0.0e+00;
	vm14 =	vlt.f32 v13, $9.000000000e+00  }
0xc9: {  	s13 =	sadd.s32 s14, s13;
	vm4 =	vgt.f32 v13, $0.0e+00;
	vm5 =	vmand vm15, vm14;
	v12 =	vmul.f32 v17, v12  }
0xca: {  	v13 =	vmov s13;
	vm3 =	vmor vm4, vm3;
	vm15 =	vmand vm5, vm6  }
0xcb: {  	vm8 =	vgt.s32 v13, v0;
	vm3 =	vmand vm3, vm15;
	v12 =	vmax.f32 v12, $-9.999998800e-01  }
0xcc: {  	v13 =	vmul.f32 v14, v22;
	vm3 =	vmand vm8, vm3;
	v12 =	vmin.f32 v12, $9.999998800e-01  }
0xcd: {  	v12 =	vnsel vm3, $0x0, v12  }
0xce: {  	v14 =	vadd.f32 $-2.145988050e-01, v18;
	v13 =	vsub.f32 $1.500000000e+00, v13;
	v15 =	vand.u32 $0x7FFFFFFF, v12  }
0xcf: {  	v17 =	vmul.f32 $-1.262491100e-03, v15  }
0xd0: {  	v11 =	vmul.f32 v14, v11;
	v13 =	vmul.f32 v13, v22  }
0xd1: {  	v14 =	vadd.f32 $6.670089900e-03, v17  }
0xd2: {  	v11 =	vadd.f32 $1.570796250e+00, v11;
	v13 =	vmul.f32 v13, v16  }
0xd3: {  	v14 =	vmul.f32 v14, v15  }
0xd4: {  	v11 =	vmul.f32 v11, v13  }
0xd5: {  	v13 =	vadd.f32 $-1.708812640e-02, v14;
	v14 =	vsub.f32 $1.000000000e+00, v15  }
0xd6: {  	v16 =	vsub.f32 $3.141592740e+00, v11  }
0xd7: {  	v13 =	vmul.f32 v13, v15;
	v17 =	vshra.s32 v14, $0x1;
	v18 =	vmul.f32 $5.000000000e-01, v14  }
0xd8: {  	vm9 =	vlt.f32 v10, $0.0e+00;
	v10 =	vsub.s32 $0x5F3759DF, v17  }
0xd9: {  	v11 =	vsel vm9, v16, v11;
	v13 =	vadd.f32 $3.089188040e-02, v13;
	v16 =	vmul.f32 v10, v18  }
0xda: {  	v11 =	vmul.f32 $5.697747040e+01, v11  }
0xdb: {  	v13 =	vmul.f32 v13, v15;
	v16 =	vmul.f32 v10, v16;
	_ =	sdelay $0x1  }
0xdc: {  	v17 =	vtrunc.f32 v11;
	v13 =	vadd.f32 $-5.017430340e-02, v13;
	v16 =	vsub.f32 $1.500000000e+00, v16  }
0xdd: {  	v17 =	vcvt.f32.s32 v17  }
0xde: {  	v13 =	vmul.f32 v13, v15;
	v10 =	vmul.f32 v10, v16  }
0xdf: {  	v16 =	vadd.s32 $0xFFFFFFFD, v17  }
0xe0: {  	vm10 =	vgt.s32 v16, $0x0;
	v13 =	vadd.f32 $8.897899090e-02, v13;
	v17 =	vmul.f32 v10, v18  }
0xe1: {  	v16 =	vnsel vm10, $0x0, v16  }
0xe2: {  	v16 =	vmin.u32 v16, $0xAC;
	v13 =	vmul.f32 v13, v15;
	v17 =	vmul.f32 v17, v10  }
0xe3: {  	v18 =	vcvt.s32.f32 v16  }
0xe4: {  	v13 =	vadd.f32 $-2.145988050e-01, v13;
	v17 =	vsub.f32 $1.500000000e+00, v17  }
0xe5: {  	v11 =	vsub.f32 v11, v18  }
0xe6: {  	vm11 =	vlt.f32 v12, $0.0e+00;
	v13 =	vmul.f32 v13, v15;
	v10 =	vmul.f32 v17, v10  }
0xe7: {  	v15 =	vmul.f32 $-5.000000000e-01, v11;
	v17 =	vadd.f32 $-1.000000000e+00, v11;
	v18 =	vadd.f32 $-3.000000000e+00, v11  }
0xe8: {  	v19 =	vadd.f32 $-4.000000000e+00, v11;
	v13 =	vadd.f32 $1.570796250e+00, v13;
	v10 =	vmul.f32 v10, v14  }
0xe9: {  	v34 =	vadd.f32 $-6.000000000e+00, v11;
	v15 =	vmul.f32 v15, v11;
	v32 =	vmul.f32 $-5.000000000e-01, v17  }
0xea: {  	v14 =	vadd.f32 $-2.000000000e+00, v11;
	v35 =	vmul.f32 $-5.000000000e-01, v18;
	v10 =	vmul.f32 v13, v10  }
0xeb: {  	v37 =	vmul.f32 $-5.000000000e-01, v19;
	v38 =	vmul.f32 $-5.000000000e-01, v34;
	v13 =	vadd.f32 $-5.000000000e+00, v11  }
0xec: {  	v33 =	vmul.f32 $-5.000000000e-01, v14;
	v15 =	vmul.f32 $1.442695020e+00, v15;
	v36 =	vsub.f32 $3.141592740e+00, v10  }
0xed: {  	v11 =	vadd.f32 $-7.000000000e+00, v11;
	v17 =	vmul.f32 v32, v17;
	v18 =	vmul.f32 v35, v18  }
0xee: {  	v19 =	vmul.f32 v37, v19;
	v12 =	vmul.f32 $-5.000000000e-01, v13;
	v10 =	vsel vm11, v36, v10  }
0xef: {  	v39 =	vmul.f32 $-5.000000000e-01, v11;
	v10 =	vmul.f32 $5.697747040e+01, v10  }
0xf0: {  	v14 =	vmul.f32 v33, v14;
	v17 =	vmul.f32 $1.442695020e+00, v17  }
0xf1: {  	(erf) = vpow2.f32 v15;
	v40 =	vtrunc.f32 v10  }
0xf2: {  	v15 =	vmul.f32 $1.442695020e+00, v18;
	v20 =	vcvt.f32.s32 v40  }
0xf3: {  	v12 =	vmul.f32 v12, v13;
	v13 =	vmul.f32 v38, v34  }
0xf4: {  	v11 =	vmul.f32 v39, v11;
	v14 =	vmul.f32 $1.442695020e+00, v14;
	v20 =	vadd.s32 $0xFFFFFFFD, v20  }
0xf5: {  	(erf) = vpow2.f32 v17;
	v17 =	vmul.f32 $1.442695020e+00, v19;
	vm12 =	vgt.s32 v20, $0x0  }
0xf6: {  	(erf) = vpow2.f32 v14;
	v12 =	vmul.f32 $1.442695020e+00, v12;
	v18 =	vnsel vm12, $0x0, v20  }
0xf7: {  	v13 =	vmul.f32 $1.442695020e+00, v13;
	(erf) = vpow2.f32 v15;
	v18 =	vmin.u32 v18, $0xAC  }
0xf8: {  	(erf) = vpow2.f32 v17;
	v14 =	vcvt.s32.f32 v18  }
0xf9: {  	v11 =	vmul.f32 $1.442695020e+00, v11;
	(erf) = vpow2.f32 v12  }
0xfa: {  	(erf) = vpow2.f32 v13;
	v10 =	vsub.f32 v10, v14  }
0xfb: {  	(erf) = vpow2.f32 v11  }
0xfc: {  	v12 =	vmul.f32 $-5.000000000e-01, v10;
	v13 =	vadd.f32 $-1.000000000e+00, v10;
	v11 =	vadd.f32 $-2.000000000e+00, v10  }
0xfd: {  	v14 =	vadd.f32 $-3.000000000e+00, v10;
	v15 =	vadd.f32 $-4.000000000e+00, v10  }
0xfe: {  	v17 =	vadd.f32 $-5.000000000e+00, v10;
	v12 =	vmul.f32 v12, v10;
	v19 =	vmul.f32 $-5.000000000e-01, v13  }
0xff: {  	v42 =	vadd.f32 $-6.000000000e+00, v10;
	v41 =	vmul.f32 $-5.000000000e-01, v11;
	v43 =	vmul.f32 $-5.000000000e-01, v14  }
0x100: {  	v44 =	vmul.f32 $-5.000000000e-01, v15;
	v10 =	vadd.f32 $-7.000000000e+00, v10;
	v45 =	vmul.f32 $-5.000000000e-01, v17  }
0x101: {  	v46 =	vmul.f32 $-5.000000000e-01, v42;
	v12 =	vmul.f32 $1.442695020e+00, v12  }
0x102: {  	v48 =	vmul.f32 $-5.000000000e-01, v10;
	v13 =	vmul.f32 v19, v13  }
0x103: {  	v47 =	vadd.s32 v1, v16;
	v11 =	vmul.f32 v41, v11;
	v14 =	vmul.f32 v43, v14  }
0x104: {  	v49 =	vadd.s32 v3, v16;
	v15 =	vmul.f32 v44, v15;
	v17 =	vmul.f32 v45, v17  }
0x105: {  	vm13 =	vmmov vm2;
	v21 =	vmul.f32 v46, v42;
	v13 =	vmul.f32 $1.442695020e+00, v13  }
0x106: {  	v19 =	vadd.s32 v4, v16;
	v10 =	vmul.f32 v48, v10;
	v11 =	vmul.f32 $1.442695020e+00, v11  }
0x107: {  	v50 =	vadd.s32 v5, v16;
	(erf) = vpow2.f32 v12;
	v14 =	vmul.f32 $1.442695020e+00, v14;
	v12 =	vpop (erf)  }
0x108: {  	v51 =	vadd.s32 v6, v16;
	v15 =	vmul.f32 $1.442695020e+00, v15;
	(erf) = vpow2.f32 v13;
	[tilespmem:v47+s7+$0x0] =	vst.idx.add.f32.msk vm2, v12;
	v12 =	vpop (erf)  }
0x109: {  	v52 =	vadd.s32 v7, v16;
	(erf) = vpow2.f32 v11;
	[tilespmem:v49+s7+$0x0] =	vst.idx.add.f32.msk vm2, v12;
	v12 =	vmul.f32 $1.442695020e+00, v17  }
0x10a: {  	v13 =	vadd.s32 v8, v16;
	v10 =	vmul.f32 $1.442695020e+00, v10;
	v11 =	vpop (erf);
	(erf) = vpow2.f32 v14  }
0x10b: {  	[tilespmem:v19+s7+$0x0] =	vst.idx.add.f32.msk vm1, v11;
	v11 =	vadd.s32 v9, v16;
	v14 =	vpop (erf);
	v16 =	vmul.f32 $1.442695020e+00, v21;
	(erf) = vpow2.f32 v15  }
0x10c: {  	v15 =	vadd.s32 v1, v18;
	[tilespmem:v50+s7+$0x0] =	vst.idx.add.f32.msk vm0, v14;
	v14 =	vpop (erf);
	(erf) = vpow2.f32 v12  }
0x10d: {  	[tilespmem:v51+s7+$0x0] =	vst.idx.add.f32.msk vm13, v14;
	v14 =	vadd.s32 v3, v18;
	v12 =	vpop (erf);
	(erf) = vpow2.f32 v16  }
0x10e: {  	v16 =	vadd.s32 v4, v18;
	[tilespmem:v52+s7+$0x0] =	vst.idx.add.f32.msk vm13, v12;
	v12 =	vpop (erf);
	(erf) = vpow2.f32 v10  }
0x10f: {  	vm14 =	vmmov vm3;
	v10 =	vpop (erf);
	[tilespmem:v13+s7+$0x0] =	vst.idx.add.f32.msk vm13, v12;
	v12 =	vadd.s32 v5, v18  }
0x110: {  	[tilespmem:v11+s7+$0x0] =	vst.idx.add.f32.msk vm13, v10;
	v10 =	vadd.s32 v6, v18;
	v11 =	vpop (erf)  }
0x111: {  	[tilespmem:v15+s7+$0x0] =	vst.idx.add.f32.msk vm3, v11;
	v11 =	vadd.s32 v7, v18;
	v13 =	vpop (erf)  }
0x112: {  	[tilespmem:v14+s7+$0x0] =	vst.idx.add.f32.msk vm3, v13;
	v13 =	vadd.s32 v8, v18;
	v14 =	vpop (erf)  }
0x113: {  	[tilespmem:v16+s7+$0x0] =	vst.idx.add.f32.msk vm3, v14;
	v14 =	vadd.s32 v9, v18;
	v15 =	vpop (erf)  }
0x114: {  	[tilespmem:v12+s7+$0x0] =	vst.idx.add.f32.msk vm3, v15;
	v12 =	vpop (erf)  }
0x115: {  	[tilespmem:v10+s7+$0x0] =	vst.idx.add.f32.msk vm14, v12;
	v10 =	vpop (erf)  }
0x116: {  	[tilespmem:v11+s7+$0x0] =	vst.idx.add.f32.msk vm14, v10;
	v10 =	vpop (erf)  }
0x117: {  	[tilespmem:v13+s7+$0x0] =	vst.idx.add.f32.msk vm14, v10;
	v10 =	vpop (erf)  }
0x118: {  	s29 =	simm.s32 $0x1EC0;
	[tilespmem:v14+s7+$0x0] =	vst.idx.add.f32.msk vm14, v10  }
0x119: {  	v10 =	vld [tilespmem:s29+$0xFFFFF940]  }
0x11a: {  	s12 =	sand.u32 $0xF0, s12;
	v11 =	vld [tilespmem:s29+$0xFFFFFA00]  }
0x11b: {  	v12 =	vld [tilespmem:s12+$0x1980]  }
0x11c: {  	v13 =	vld [tilespmem:s29+$0xFFFFFB80]  }
0x11d: {  	v14 =	vld [tilespmem:s12+$0x1B00]  }
0x11e: {  	v15 =	vld [tilespmem:s29+$0xFFFFFD00]  }
0x11f: {  	v16 =	vld [tilespmem:s12+$0x1C80]  }
0x120: {  	v17 =	vld [tilespmem:s29+$0xFFFFFE80]  }
0x121: {  	s30 =	simm.s32 $0x1ED0;
	v18 =	vld [tilespmem:s29+$0x0]  }
0x122: {  	v20 =	vld [tilespmem:s30+$0xFFFFF940]  }
0x123: {  	s15 =	simm.s32 $0x10;
	v53 =	vld [tilespmem:s30+$0xFFFFFA00]  }
0x124: {  	s15 =	sand.u32 $0xF0, s15;
	v19 =	vld [tilespmem:s12+$0x1E00]  }
0x125: {  	v22 =	vld [tilespmem:s15+$0x1980];
	v10 =	vadd.f32 v11, v10  }
0x126: {  	v23 =	vld [tilespmem:s30+$0xFFFFFB80]  }
0x127: {  	v54 =	vld [tilespmem:s15+$0x1B00];
	v10 =	vadd.f32 v12, v10  }
0x128: {  	v55 =	vld [tilespmem:s30+$0xFFFFFD00];
	v20 =	vadd.f32 v53, v20  }
0x129: {  	v56 =	vld [tilespmem:s15+$0x1C80];
	v10 =	vadd.f32 v13, v10  }
0x12a: {  	s31 =	simm.s32 $0x20;
	v57 =	vld [tilespmem:s30+$0xFFFFFE80];
	v20 =	vadd.f32 v22, v20  }
0x12b: {  	s13 =	sand.u32 $0xF0, s31;
	v58 =	vld [tilespmem:s15+$0x1E00];
	v10 =	vadd.f32 v14, v10  }
0x12c: {  	v60 =	vld [tilespmem:s13+$0x1980];
	v20 =	vadd.f32 v23, v20  }
0x12d: {  	v62 =	vld [tilespmem:s13+$0x1B00];
	v10 =	vadd.f32 v15, v10  }
0x12e: {  	v11 =	vld [tilespmem:s12+$0x1F80];
	v20 =	vadd.f32 v54, v20  }
0x12f: {  	v12 =	vld [tilespmem:s29+$0x180];
	v10 =	vadd.f32 v16, v10  }
0x130: {  	v13 =	vld [tilespmem:s12+$0x2100];
	v20 =	vadd.f32 v55, v20  }
0x131: {  	v15 =	vld [tilespmem:s12+$0x2280];
	s12 =	simm.s32 $0x1EE0;
	v10 =	vadd.f32 v17, v10  }
0x132: {  	v59 =	vld [tilespmem:s12+$0xFFFFFA00];
	v20 =	vadd.f32 v56, v20  }
0x133: {  	v17 =	vld [tilespmem:s30+$0x0];
	v10 =	vadd.f32 v19, v10  }
0x134: {  	v20 =	vadd.f32 v57, v20;
	v19 =	vld [tilespmem:s12+$0xFFFFF940]  }
0x135: {  	v10 =	vadd.f32 v18, v10;
	v18 =	vld [tilespmem:s15+$0x1F80]  }
0x136: {  	v14 =	vld [tilespmem:s29+$0x300];
	v20 =	vadd.f32 v58, v20  }
0x137: {  	v10 =	vadd.f32 v11, v10;
	v11 =	vld [tilespmem:s30+$0x180]  }
0x138: {  	v61 =	vld [tilespmem:s12+$0xFFFFFB80];
	v17 =	vadd.f32 v17, v20  }
0x139: {  	v19 =	vadd.f32 v59, v19;
	v10 =	vadd.f32 v12, v10;
	v12 =	vld [tilespmem:s15+$0x2100]  }
0x13a: {  	v16 =	vld [tilespmem:s29+$0x480];
	v17 =	vadd.f32 v18, v17  }
0x13b: {  	v19 =	vadd.f32 v60, v19;
	v10 =	vadd.f32 v13, v10;
	v13 =	vld [tilespmem:s30+$0x300]  }
0x13c: {  	v18 =	vld [tilespmem:s12+$0xFFFFFD00];
	v11 =	vadd.f32 v11, v17  }
0x13d: {  	v63 =	vld [tilespmem:s15+$0x2280];
	v10 =	vadd.f32 v14, v10;
	v14 =	vadd.f32 v61, v19  }
0x13e: {  	v17 =	vld [tilespmem:s13+$0x1C80];
	v12 =	vadd.f32 v12, v11  }
0x13f: {  	v15 =	vadd.f32 v15, v10;
	v10 =	vld [tilespmem:s30+$0x480];
	v19 =	vadd.f32 v62, v14  }
0x140: {  	v14 =	vld [tilespmem:s12+$0xFFFFFE80];
	v12 =	vadd.f32 v13, v12  }
0x141: {  	v11 =	vld [tilespmem:s12+$0x0];
	v16 =	vadd.f32 v16, v15;
	v18 =	vadd.f32 v18, v19  }
0x142: {  	s14 =	simm.s32 $0x2400;
	s15 =	simm.s32 $0x1EF0;
	v13 =	vld [tilespmem:s13+$0x1E00]  }
0x143: {  	v15 =	vld [tilespmem:s15+$0xFFFFF940];
	v12 =	vadd.f32 v63, v12;
	[tilespmem:s14+$0x0] =	vst v16;
	v16 =	vadd.f32 v17, v18  }
0x144: {  	s16 =	simm.s32 $0x30;
	s17 =	simm.s32 $0x40;
	vm15 =	vmmov vm14;
	v17 =	vld [tilespmem:s15+$0xFFFFFA00]  }
.LBB2_6:
0x145: {  	p0 =	sne.s32 s17, $0xB0;
	s18 =	sand.u32 $0xF0, s16;
	v14 =	vadd.f32 v14, v16;
	v16 =	vld [tilespmem:s13+$0x1F80];
	v10 =	vadd.f32 v10, v12;
	s16 =	smov.u32 s17  }
0x146: {  	s14 =	sadd.s32 $0x10, s14;
	v12 =	vld [tilespmem:s18+$0x1980]  }
0x147: {  	v13 =	vadd.f32 v13, v14;
	v14 =	vld [tilespmem:s12+$0x180];
	[tilespmem:s14+$0x0] =	vst v10  }
0x148: {  	v10 =	vld [tilespmem:s15+$0xFFFFFB80]  }
0x149: {  	v15 =	vadd.f32 v17, v15;
	v11 =	vadd.f32 v11, v13;
	v13 =	vld [tilespmem:s13+$0x2100]  }
0x14a: {  	v17 =	vld [tilespmem:s18+$0x1B00]  }
0x14b: {  	v12 =	vadd.f32 v12, v15;
	v11 =	vadd.f32 v16, v11;
	v15 =	vld [tilespmem:s12+$0x300]  }
0x14c: {  	v16 =	vld [tilespmem:s15+$0xFFFFFD00]  }
0x14d: {  	v10 =	vadd.f32 v10, v12;
	v11 =	vadd.f32 v14, v11;
	v12 =	vld [tilespmem:s13+$0x2280];
	s13 =	smov.u32 s18  }
0x14e: {  	v18 =	vld [tilespmem:s13+$0x1C80]  }
0x14f: {  	v17 =	vadd.f32 v17, v10;
	v13 =	vadd.f32 v13, v11;
	v10 =	vld [tilespmem:s12+$0x480];
	s12 =	smov.u32 s15  }
.Ltmp2:
0x150: {  	v14 =	vld [tilespmem:s15+$0xFFFFFE80];
	(pc) =	sbr.rel @p0 .LBB2_6-.Ltmp2, $4  }
0x151: {  	v16 =	vadd.f32 v16, v17;
	v11 =	vld [tilespmem:s15+$0x0];
	v17 =	vadd.f32 v15, v13  }
0x152: {  	s15 =	sadd.s32 $0x10, s15;
	v13 =	vld [tilespmem:s13+$0x1E00]  }
0x153: {  	v15 =	vld [tilespmem:s15+$0xFFFFF940];
	v16 =	vadd.f32 v18, v16;
	v12 =	vadd.f32 v12, v17  }
0x154: {  	s17 =	sadd.s32 $0x10, s17;
	v17 =	vld [tilespmem:s15+$0xFFFFFA00]  }
0x155: {  	s16 =	sand.u32 $0xF0, s16  }
0x156: {  	v18 =	vld [tilespmem:s16+$0x1980];
	_ =	sdelay $0x1  }
0x157: {  	v19 =	vld [tilespmem:s15+$0xFFFFFB80]  }
0x158: {  	v15 =	vadd.f32 v17, v15  }
0x159: {  	v45 =	vld [tilespmem:s16+$0x1B00]  }
0x15a: {  	v15 =	vadd.f32 v18, v15  }
0x15b: {  	v46 =	vld [tilespmem:s15+$0xFFFFFD00]  }
0x15c: {  	v15 =	vadd.f32 v19, v15  }
0x15d: {  	v47 =	vld [tilespmem:s16+$0x1C80]  }
0x15e: {  	v15 =	vadd.f32 v45, v15  }
0x15f: {  	v48 =	vld [tilespmem:s15+$0xFFFFFE80]  }
0x160: {  	v15 =	vadd.f32 v46, v15  }
0x161: {  	v49 =	vld [tilespmem:s16+$0x1E00]  }
0x162: {  	v15 =	vadd.f32 v47, v15  }
0x163: {  	v14 =	vadd.f32 v14, v16;
	v50 =	vld [tilespmem:s15+$0x0]  }
0x164: {  	v51 =	vld [tilespmem:s13+$0x1F80];
	v15 =	vadd.f32 v48, v15  }
0x165: {  	v52 =	vld [tilespmem:s16+$0x1F80];
	v13 =	vadd.f32 v13, v14  }
0x166: {  	v53 =	vld [tilespmem:s12+$0x180];
	v15 =	vadd.f32 v49, v15  }
0x167: {  	v54 =	vld [tilespmem:s15+$0x180];
	v11 =	vadd.f32 v11, v13  }
0x168: {  	v55 =	vld [tilespmem:s13+$0x2100];
	v15 =	vadd.f32 v50, v15  }
0x169: {  	v56 =	vld [tilespmem:s16+$0x2100];
	v11 =	vadd.f32 v51, v11  }
0x16a: {  	v57 =	vld [tilespmem:s12+$0x300];
	v14 =	vadd.f32 v52, v15  }
0x16b: {  	v58 =	vld [tilespmem:s15+$0x300];
	v11 =	vadd.f32 v53, v11  }
0x16c: {  	v59 =	vld [tilespmem:s13+$0x2280];
	v13 =	vadd.f32 v54, v14  }
0x16d: {  	v60 =	vld [tilespmem:s16+$0x2280];
	v11 =	vadd.f32 v55, v11  }
0x16e: {  	v61 =	vld [tilespmem:s12+$0x480];
	v13 =	vadd.f32 v56, v13  }
0x16f: {  	v62 =	vld [tilespmem:s15+$0x480];
	v11 =	vadd.f32 v57, v11  }
0x170: {  	v13 =	vadd.f32 v58, v13  }
0x171: {  	v11 =	vadd.f32 v59, v11  }
0x172: {  	v10 =	vadd.f32 v10, v12;
	v63 =	vadd.f32 v60, v13  }
0x173: {  	s31 =	sadd.s32 $0x10, s14;
	v11 =	vadd.f32 v61, v11  }
0x174: {  	s11 =	sadd.s32 $0x1, s11;
	s12 =	sadd.s32 $0x10, s31;
	[tilespmem:s31+$0x0] =	vst v10;
	v10 =	vadd.f32 v62, v63  }
0x175: {  	p0 =	sne.s32 s11, s5;
	[tilespmem:s12+$0x0] =	vst v11;
	s12 =	sadd.s32 $0x10, s12  }
.Ltmp3:
0x176: {  	[tilespmem:s12+$0x0] =	vst v10;
	(pc) =	sbr.rel @p0 .LBB2_1-.Ltmp3, $4  }
0x177: {  	[hbm4b:s4+s8] =	stream.strided.scatter [tilespmem:s10], [sflag:$0x1], $0x100, s9, s8, $0x38;
	[tilespmem:$0x2500] =	vst v63  }
0x178: {  	_ =	swait.ge [sflag:s6], $0x100  }
0x179: {  	[sflag:s6] =	ssyncset.done $0x0  }
0x17a: {  	[sflag:s6] =	ssyncadd.s32 $0xFFFFFF00  }
0x17b: {  	_ =	sfence.sel $0x180000  }
0x17c: {  	[bflag:$0x0] =	sbarrier.arrive $0xFFFF  }
0x17d: {  	p0 =	sne.s32 s1, $0x0;
	_ =	strace $0x90000047  }
0x17e: {  	s0 =	sadd.s32 @!p0 $0x100000, s0;
	[bflag:$0x2] =	sbarrier.arrive $0xFFFF  }
0x17f: {  	[sflag:s0] =	ssyncadd.tile.s32 @!p0 $0x1;
	_ =	shalt  }
.Lfunc_end2:
_tile_overlayer_lowered:
.L_overlay_start_2:
0x180: {  	(tag) =	ssettag $0x2  }
0x181: {  	s0 =	rddreg [dreg:$0x0];
	s2 =	stileid.u32  }
0x182: {  	s1 =	rddreg [dreg:$0x1];
	p0 =	sne.s32 s2, $0x0  }
0x183: {  	s3 =	rddreg [dreg:$0x2];
	[bflag:$0x3] =	sbarrier.arrive $0xFFFF;
	s2 =	simm.s32 @!p0 $0x1C01  }
0x184: {  	[timem:s3], [sflag:s2] =	dma.local @!p0 [hbm:s0], s1  }
0x185: {  	s0 =	simm.s32 @!p0 $0x1  }
0x186: {  	_ =	swait.ge @!p0 [sflag:s0], s1  }
0x187: {  	s1 =	ssub.s32 @!p0 $0x0, s1;
	[sflag:s0] =	ssyncset.done @!p0 $0x0  }
0x188: {  	[sflag:s0] =	ssyncadd.s32 @!p0 s1  }
0x189: {  	[bflag:$0x3] =	sbarrier.arrive $0xFFFF  }
0x18a: {  	_ =	shalt  }

</sc_bundles>
